<compile_context>
chip_gen: v7x
topology: tpu7x:2x2x1
jax: 0.10.2.dev20260603
libtpu: 0.0.44.dev20260713+nightly
codegen_flags: <defaults>
</compile_context>

<pallas_src>
import functools

import jax
import jax.numpy as jnp
import numpy as np
from jax import lax
from jax.experimental import pallas as pl
from jax.experimental.pallas import tpu as pltpu
from jax.experimental.pallas import tpu_sc as plsc

NC = 2
NS = 16
NW = NC * NS
LB = 128
EB = 512


def _messages_tc(u_emb, i_emb, W1, W2):
    n, d = u_emb.shape
    blk = 512

    def body(u_ref, i_ref, w1_ref, w2_ref, um_ref, im_ref):
        dn = (((1,), (1,)), ((), ()))
        um_ref[...] = lax.dot_general(u_ref[...], w2_ref[...], dn,
                                      preferred_element_type=jnp.float32)
        im_ref[...] = lax.dot_general(i_ref[...], w1_ref[...], dn,
                                      preferred_element_type=jnp.float32)

    return pl.pallas_call(
        body,
        grid=(n // blk,),
        in_specs=[
            pl.BlockSpec((blk, d), lambda i: (i, 0)),
            pl.BlockSpec((blk, d), lambda i: (i, 0)),
            pl.BlockSpec((d, d), lambda i: (0, 0)),
            pl.BlockSpec((d, d), lambda i: (0, 0)),
        ],
        out_specs=[
            pl.BlockSpec((blk, d), lambda i: (i, 0)),
            pl.BlockSpec((blk, d), lambda i: (i, 0)),
        ],
        out_shape=[
            jax.ShapeDtypeStruct((n, d), jnp.float32),
            jax.ShapeDtypeStruct((n, d), jnp.float32),
        ],
    )(u_emb, i_emb, W1, W2)


def _tables_tc(um, im, pvp, pkp):
    n, d = um.shape
    p = pvp.shape[0]
    blk = 512

    def body(um_ref, im_ref, imf_ref, pv_ref, pk_ref, e_ref, a_ref, b_ref):
        dn = (((1,), (1,)), ((), ()))
        e_ref[...] = lax.dot_general(um_ref[...], imf_ref[...], dn,
                                     preferred_element_type=jnp.float32)
        a_ref[...] = lax.dot_general(um_ref[...], pv_ref[...], dn,
                                     preferred_element_type=jnp.float32)
        b_ref[...] = lax.dot_general(im_ref[...], pk_ref[...], dn,
                                     preferred_element_type=jnp.float32)

    return pl.pallas_call(
        body,
        grid=(n // blk,),
        in_specs=[
            pl.BlockSpec((blk, d), lambda i: (i, 0)),
            pl.BlockSpec((blk, d), lambda i: (i, 0)),
            pl.BlockSpec((n, d), lambda i: (0, 0)),
            pl.BlockSpec((p, d), lambda i: (0, 0)),
            pl.BlockSpec((p, d), lambda i: (0, 0)),
        ],
        out_specs=[
            pl.BlockSpec((blk, n), lambda i: (i, 0)),
            pl.BlockSpec((blk, p), lambda i: (i, 0)),
            pl.BlockSpec((blk, p), lambda i: (i, 0)),
        ],
        out_shape=[
            jax.ShapeDtypeStruct((n, n), jnp.float32),
            jax.ShapeDtypeStruct((n, p), jnp.float32),
            jax.ShapeDtypeStruct((n, p), jnp.float32),
        ],
    )(um, im, im, pvp, pkp)


def _edge_exp_sc(e_flat, a_flat, b_flat, rowe, rowa, rowb,
                 lane_e, lane_a, lane_b, inv_sqrt_d):
    E = rowe.shape[0]
    epw = E // NW
    nb = epw // LB
    mesh = plsc.VectorSubcoreMesh(core_axis_name="c", subcore_axis_name="s")

    @functools.partial(
        pl.kernel,
        out_type=[
            jax.ShapeDtypeStruct((E,), jnp.float32),
            jax.ShapeDtypeStruct((E,), jnp.float32),
        ],
        mesh=mesh,
        compiler_params=pltpu.CompilerParams(needs_layout_passes=False),
        scratch_types=[
            pltpu.VMEM((LB,), jnp.int32),
            pltpu.VMEM((LB,), jnp.int32),
            pltpu.VMEM((LB,), jnp.int32),
            pltpu.VMEM((LB,), jnp.int32),
            pltpu.VMEM((LB,), jnp.int32),
            pltpu.VMEM((LB,), jnp.int32),
            pltpu.VMEM((LB, 128), jnp.float32),
            pltpu.VMEM((LB, 128), jnp.float32),
            pltpu.VMEM((LB, 128), jnp.float32),
            pltpu.VMEM((LB,), jnp.float32),
            pltpu.VMEM((LB,), jnp.float32),
        ],
    )
    def kern(ef_h, af_h, bf_h, re_h, ra_h, rb_h, le_h, la_h, lb_h,
             ea_h, eb_h,
             ire, ira, irb, ile, ila, ilb, er, ar, br, ea_v, eb_v):
        cid = lax.axis_index("c")
        sid = lax.axis_index("s")
        wid = cid * NS + sid
        iota16 = lax.iota(jnp.int32, 16)

        def block(b, _):
            base = wid * epw + b * LB
            pltpu.sync_copy(re_h.at[pl.ds(base, LB)], ire)
            pltpu.sync_copy(ra_h.at[pl.ds(base, LB)], ira)
            pltpu.sync_copy(rb_h.at[pl.ds(base, LB)], irb)
            pltpu.sync_copy(le_h.at[pl.ds(base, LB)], ile)
            pltpu.sync_copy(la_h.at[pl.ds(base, LB)], ila)
            pltpu.sync_copy(lb_h.at[pl.ds(base, LB)], ilb)
            pltpu.sync_copy(ef_h.at[ire], er)
            pltpu.sync_copy(af_h.at[ira], ar)
            pltpu.sync_copy(bf_h.at[irb], br)

            def group(g, _):
                rows16 = iota16 + g * 16
                le16 = ile[pl.ds(g * 16, 16)]
                la16 = ila[pl.ds(g * 16, 16)]
                lb16 = ilb[pl.ds(g * 16, 16)]
                ev = plsc.load_gather(er, [rows16, le16])
                av = plsc.load_gather(ar, [rows16, la16])
                bv = plsc.load_gather(br, [rows16, lb16])
                ea_v[pl.ds(g * 16, 16)] = jnp.exp((ev + av) * inv_sqrt_d)
                eb_v[pl.ds(g * 16, 16)] = jnp.exp((ev + bv) * inv_sqrt_d)
                return 0
            lax.fori_loop(0, LB // 16, group, 0)

            pltpu.sync_copy(ea_v, ea_h.at[pl.ds(base, LB)])
            pltpu.sync_copy(eb_v, eb_h.at[pl.ds(base, LB)])
            return 0
        lax.fori_loop(0, nb, block, 0)

    return kern(e_flat, a_flat, b_flat, rowe, rowa, rowb,
                lane_e, lane_a, lane_b)


def _aggregate_tc(seg, msg_idx_t, pos_idx_t, w, msg_tab, pos_tab):
    E = seg.shape[1]
    n, d = msg_tab.shape
    p = pos_tab.shape[0]
    nblk = E // EB

    def body(seg_ref, mi_ref, pi_ref, w_ref, mt_ref, pt_ref, out_ref, acc):
        e = pl.program_id(0)

        @pl.when(e == 0)
        def _():
            acc[...] = jnp.zeros_like(acc)

        io_l = lax.broadcasted_iota(jnp.int32, mi_ref.shape, 1)
        mi = jnp.sum(jnp.where(io_l == e, mi_ref[...], 0), axis=1,
                     keepdims=True)
        pi = jnp.sum(jnp.where(io_l == e, pi_ref[...], 0), axis=1,
                     keepdims=True)
        sg = seg_ref[...]
        wv = w_ref[...]

        dn = (((1,), (0,)), ((), ()))
        io_n = lax.broadcasted_iota(jnp.int32, (EB, n), 1)
        gi = (mi == io_n).astype(jnp.bfloat16)
        r = lax.dot_general(gi, mt_ref[...], dn,
                            preferred_element_type=jnp.float32)
        io_p = lax.broadcasted_iota(jnp.int32, (EB, p), 1)
        gp = (pi == io_p).astype(jnp.bfloat16)
        r = r + lax.dot_general(gp, pt_ref[...], dn,
                                preferred_element_type=jnp.float32)
        ones_col = (lax.broadcasted_iota(jnp.int32, (EB, 128), 1)
                    == 0).astype(jnp.float32)
        r256 = jnp.concatenate([r, ones_col], axis=1).astype(jnp.bfloat16)

        io_u = lax.broadcasted_iota(jnp.int32, (acc.shape[0], EB), 0)
        sa = jnp.where(sg == io_u, wv, 0.0).astype(jnp.bfloat16)
        acc[...] += lax.dot_general(sa, r256, dn,
                                    preferred_element_type=jnp.float32)

        @pl.when(e == nblk - 1)
        def _():
            den = acc[:, 128:129]
            den = jnp.where(den == 0.0, 1.0, den)
            out_ref[...] = acc[:, :128] / den

    return pl.pallas_call(
        body,
        grid=(nblk,),
        in_specs=[
            pl.BlockSpec((1, EB), lambda e: (0, e)),
            pl.BlockSpec((EB, E // EB), lambda e: (0, 0)),
            pl.BlockSpec((EB, E // EB), lambda e: (0, 0)),
            pl.BlockSpec((1, EB), lambda e: (0, e)),
            pl.BlockSpec((n, d), lambda e: (0, 0)),
            pl.BlockSpec((p, d), lambda e: (0, 0)),
        ],
        out_specs=pl.BlockSpec((n, d), lambda e: (0, 0)),
        out_shape=jax.ShapeDtypeStruct((n, d), jnp.float32),
        scratch_shapes=[pltpu.VMEM((n, 256), jnp.float32)],
    )(seg, msg_idx_t, pos_idx_t, w, msg_tab, pos_tab)


@jax.jit
def kernel(u_emb, i_emb, edge_index, rui, riu, W1, W2, pV, pK):
    U, D = u_emb.shape
    I = i_emb.shape[0]
    E = rui.shape[0]
    P = 256
    u_idx = edge_index[0]
    i_idx = edge_index[1]
    inv_sqrt_d = float(1.0 / np.sqrt(D))

    pvp = jnp.zeros((P, D), jnp.float32).at[:pV.shape[0]].set(pV)
    pkp = jnp.zeros((P, D), jnp.float32).at[:pK.shape[0]].set(pK)

    um, im = _messages_tc(u_emb, i_emb, W1, W2)
    e_tab, a_tab, b_tab = _tables_tc(um, im, pvp, pkp)

    e_flat = e_tab.reshape(U * (I // 128), 128)
    a_flat = a_tab.reshape(U * (P // 128), 128)
    b_flat = b_tab.reshape(I * (P // 128), 128)

    rowe = u_idx * (I // 128) + (i_idx // 128)
    lane_e = i_idx % 128
    rowa = u_idx * (P // 128) + (rui // 128)
    lane_a = rui % 128
    rowb = i_idx * (P // 128) + (riu // 128)
    lane_b = riu % 128

    ea, eb = _edge_exp_sc(e_flat, a_flat, b_flat, rowe, rowa, rowb,
                          lane_e, lane_a, lane_b, inv_sqrt_d)

    seg_u = u_idx.reshape(1, E)
    seg_i = i_idx.reshape(1, E)
    mi_u = i_idx.reshape(E // EB, EB).T
    mi_i = u_idx.reshape(E // EB, EB).T
    pi_u = riu.reshape(E // EB, EB).T
    pi_i = rui.reshape(E // EB, EB).T
    ea2 = ea.reshape(1, E)
    eb2 = eb.reshape(1, E)

    im_bf = im.astype(jnp.bfloat16)
    um_bf = um.astype(jnp.bfloat16)
    pkp_bf = pkp.astype(jnp.bfloat16)
    pvp_bf = pvp.astype(jnp.bfloat16)

    hu = _aggregate_tc(seg_u, mi_u, pi_u, ea2, im_bf, pkp_bf)
    hi = _aggregate_tc(seg_i, mi_i, pi_i, eb2, um_bf, pvp_bf)

    zu = jnp.zeros((U, D), jnp.float32)
    zi = jnp.zeros((I, D), jnp.float32)
    return (hu, zu, hi, zi)

# --- scband reference (transcript-rebuilt; emitter-appended) ---
"""Pipeline reference for scband-dgrnlayer-79035988181039 (READ-ONLY COPY).

The authoritative reference and input builder live on the scoring server;
editing this copy changes nothing except your own understanding.
"""

import jax, jax.numpy as jnp
import numpy as np

U = 4096
I = 4096
D = 128
E = 65536
USER_MAX = 200
ITEM_MAX = 200


def setup_inputs(seed: int = 0) -> dict:
    key = jax.random.key(seed)
    ks = jax.random.split(key, 9)
    u_emb = jax.random.normal(ks[0], (U, D), dtype=jnp.float32)
    i_emb = jax.random.normal(ks[1], (I, D), dtype=jnp.float32)
    edge_index = jax.random.randint(ks[2], (2, E), 0, U, dtype=jnp.int32)
    rui = jax.random.randint(ks[3], (E,), 0, USER_MAX, dtype=jnp.int32)
    riu = jax.random.randint(ks[4], (E,), 0, ITEM_MAX, dtype=jnp.int32)
    scale = 1.0 / np.sqrt(D)
    W1 = jax.random.normal(ks[5], (D, D), dtype=jnp.float32) * scale
    W2 = jax.random.normal(ks[6], (D, D), dtype=jnp.float32) * scale
    pV = jax.random.normal(ks[7], (USER_MAX, D), dtype=jnp.float32)
    pK = jax.random.normal(ks[8], (ITEM_MAX, D), dtype=jnp.float32)
    return {"u_emb": u_emb, "i_emb": i_emb, "edge_index": edge_index, "rui": rui, "riu": riu, "W1": W1, "W2": W2, "pV": pV, "pK": pK}


def _segment_softmax(vals, seg, num_segments):
    m = jax.ops.segment_max(vals, seg, num_segments=num_segments)
    m = jnp.where(jnp.isfinite(m), m, 0.0)
    ex = jnp.exp(vals - m[seg])
    den = jax.ops.segment_sum(ex, seg, num_segments=num_segments)
    return ex / den[seg]


def reference(u_emb, i_emb, edge_index, rui, riu, W1, W2, pV, pK):
    sqrt_d = np.sqrt(D).astype(np.float32)
    # nn.Linear(no bias): y = x @ W.T
    user_messages = u_emb @ W2.T
    item_messages = i_emb @ W1.T
    u_idx = edge_index[0]
    i_idx = edge_index[1]
    # dense score matrix, then sparse-dense mul (gather at edge coords)
    e_dense = user_messages @ item_messages.T
    e_vals = e_dense[u_idx, i_idx]
    # relative position embeddings per edge
    pVui = jnp.take(pV, rui, axis=0)
    pKiu = jnp.take(pK, riu, axis=0)
    # e_ui = e + <user_message, pVui> per edge; sparse softmax over dim=1 (per user row)
    u_at_pVui = jnp.sum(user_messages[u_idx] * pVui, axis=-1)
    alphas = _segment_softmax((e_vals + u_at_pVui) / sqrt_d, u_idx, U)
    # e_iu = e.T + <item_message, pKiu> per edge; sparse softmax over dim=1 (per item row)
    u_at_pKiu = jnp.sum(item_messages[i_idx] * pKiu, axis=-1)
    betas = _segment_softmax((e_vals + u_at_pKiu) / sqrt_d, i_idx, I)
    # pass_messages: attention-weighted aggregation with relative-position values
    longterm_hu = jax.ops.segment_sum(alphas[:, None] * (item_messages[i_idx] + pKiu), u_idx, num_segments=U)
    longterm_hi = jax.ops.segment_sum(betas[:, None] * (user_messages[u_idx] + pVui), i_idx, num_segments=I)
    # shortterm is a TODO stub returning zeros
    shortterm_hu = jnp.zeros((U, D), dtype=jnp.float32)
    shortterm_hi = jnp.zeros((I, D), dtype=jnp.float32)
    return (longterm_hu, shortterm_hu, longterm_hi, shortterm_hi)

if __name__ == "__main__":
    import jax
    _d = setup_inputs()
    print(jax.jit(kernel)(*tuple(_d.values())))

</pallas_src>

<mosaic_0001>
#map = affine_map<(d0, d1) -> (0, 0)>
#map1 = affine_map<(d0, d1) -> (0)>
module attributes {stable_mosaic.version = 14 : i64} {
  func.func @kern(%arg0: i32, %arg1: i32, %arg2: memref<131072x128xf32, #tpu.memory_space<hbm>>, %arg3: memref<8192x128xf32, #tpu.memory_space<hbm>>, %arg4: memref<8192x128xf32, #tpu.memory_space<hbm>>, %arg5: memref<65536xi32, #tpu.memory_space<hbm>>, %arg6: memref<65536xi32, #tpu.memory_space<hbm>>, %arg7: memref<65536xi32, #tpu.memory_space<hbm>>, %arg8: memref<65536xi32, #tpu.memory_space<hbm>>, %arg9: memref<65536xi32, #tpu.memory_space<hbm>>, %arg10: memref<65536xi32, #tpu.memory_space<hbm>>, %arg11: memref<65536xf32, #tpu.memory_space<hbm>>, %arg12: memref<65536xf32, #tpu.memory_space<hbm>>, %arg13: memref<128xi32, #tpu.memory_space<vmem>>, %arg14: memref<128xi32, #tpu.memory_space<vmem>>, %arg15: memref<128xi32, #tpu.memory_space<vmem>>, %arg16: memref<128xi32, #tpu.memory_space<vmem>>, %arg17: memref<128xi32, #tpu.memory_space<vmem>>, %arg18: memref<128xi32, #tpu.memory_space<vmem>>, %arg19: memref<128x128xf32, #tpu.memory_space<vmem>>, %arg20: memref<128x128xf32, #tpu.memory_space<vmem>>, %arg21: memref<128x128xf32, #tpu.memory_space<vmem>>, %arg22: memref<128xf32, #tpu.memory_space<vmem>>, %arg23: memref<128xf32, #tpu.memory_space<vmem>>) attributes {dimension_semantics = [#tpu.dimension_semantics<core_parallel>, #tpu.dimension_semantics<subcore_parallel>], iteration_bounds = array<i64: 2, 16>, scalar_prefetch = 0 : i64, scratch_operands = 11 : i64, tpu.core_type = #tpu.core_type<sc_vector_subcore>, window_params = [{transform_indices = #map}, {transform_indices = #map}, {transform_indices = #map}, {transform_indices = #map1}, {transform_indices = #map1}, {transform_indices = #map1}, {transform_indices = #map1}, {transform_indices = #map1}, {transform_indices = #map1}, {transform_indices = #map1}, {transform_indices = #map1}]} {
    %mul3A = arith.constant 16 : i32
    %mul3A_0 = arith.muli %arg0, %mul3A : i32
    %add3A = arith.addi %mul3A_0, %arg1 : i32
    %iota3A = tpu.iota {dimensions = array<i32: 0>} : vector<16xi32>
    %scan3A = arith.constant 0 : i32
    %scan3A_1 = arith.constant 0 : i32
    %scan3A_2 = arith.constant 16 : i32
    %scan3A_3 = arith.addi %scan3A_1, %scan3A_2 : i32
    %scan3A_4 = arith.constant 1 : i32
    %scan3A_5 = scf.for %scan3A_7 = %scan3A_1 to %scan3A_3 step %scan3A_4 iter_args(%scan3A_8 = %scan3A) -> (i32)  : i32 {
      %mul3A_9 = arith.constant 2048 : i32
      %mul3A_10 = arith.muli %add3A, %mul3A_9 : i32
      %mul3A_11 = arith.constant 128 : i32
      %mul3A_12 = arith.muli %scan3A_7, %mul3A_11 : i32
      %add3A_13 = arith.addi %mul3A_10, %mul3A_12 : i32
      "tpu.region"() ({
        %run_scoped3A = tpu.sem_alloc : memref<!tpu.dma_semaphore, #tpu.memory_space<semaphore_mem>>
        %dma_start3A = tpu.memref_slice %arg5[%add3A_13] : memref<65536xi32, #tpu.memory_space<hbm>> -> memref<128xi32, #tpu.memory_space<hbm>>
        %dma_start3A_22 = tpu.memref_slice %arg5[%add3A_13] : memref<65536xi32, #tpu.memory_space<hbm>> -> memref<128xi32, #tpu.memory_space<hbm>>
        tpu.enqueue_dma source(%dma_start3A_22 : memref<128xi32, #tpu.memory_space<hbm>>) target(%arg13 : memref<128xi32, #tpu.memory_space<vmem>>) target_semaphore(%run_scoped3A : memref<!tpu.dma_semaphore, #tpu.memory_space<semaphore_mem>>)
        %dma_wait3A = tpu.memref_slice %arg5[%add3A_13] : memref<65536xi32, #tpu.memory_space<hbm>> -> memref<128xi32, #tpu.memory_space<hbm>>
        %dma_wait3A_23 = tpu.memref_slice %arg5[%add3A_13] : memref<65536xi32, #tpu.memory_space<hbm>> -> memref<128xi32, #tpu.memory_space<hbm>>
        tpu.wait_dma2 semaphore(%run_scoped3A : memref<!tpu.dma_semaphore, #tpu.memory_space<semaphore_mem>>) src(%dma_wait3A_23 : memref<128xi32, #tpu.memory_space<hbm>>) dst(%arg13 : memref<128xi32, #tpu.memory_space<vmem>>)
        tpu.yield
      }) : () -> ()
      "tpu.region"() ({
        %run_scoped3A = tpu.sem_alloc : memref<!tpu.dma_semaphore, #tpu.memory_space<semaphore_mem>>
        %dma_start3A = tpu.memref_slice %arg6[%add3A_13] : memref<65536xi32, #tpu.memory_space<hbm>> -> memref<128xi32, #tpu.memory_space<hbm>>
        %dma_start3A_22 = tpu.memref_slice %arg6[%add3A_13] : memref<65536xi32, #tpu.memory_space<hbm>> -> memref<128xi32, #tpu.memory_space<hbm>>
        tpu.enqueue_dma source(%dma_start3A_22 : memref<128xi32, #tpu.memory_space<hbm>>) target(%arg14 : memref<128xi32, #tpu.memory_space<vmem>>) target_semaphore(%run_scoped3A : memref<!tpu.dma_semaphore, #tpu.memory_space<semaphore_mem>>)
        %dma_wait3A = tpu.memref_slice %arg6[%add3A_13] : memref<65536xi32, #tpu.memory_space<hbm>> -> memref<128xi32, #tpu.memory_space<hbm>>
        %dma_wait3A_23 = tpu.memref_slice %arg6[%add3A_13] : memref<65536xi32, #tpu.memory_space<hbm>> -> memref<128xi32, #tpu.memory_space<hbm>>
        tpu.wait_dma2 semaphore(%run_scoped3A : memref<!tpu.dma_semaphore, #tpu.memory_space<semaphore_mem>>) src(%dma_wait3A_23 : memref<128xi32, #tpu.memory_space<hbm>>) dst(%arg14 : memref<128xi32, #tpu.memory_space<vmem>>)
        tpu.yield
      }) : () -> ()
      "tpu.region"() ({
        %run_scoped3A = tpu.sem_alloc : memref<!tpu.dma_semaphore, #tpu.memory_space<semaphore_mem>>
        %dma_start3A = tpu.memref_slice %arg7[%add3A_13] : memref<65536xi32, #tpu.memory_space<hbm>> -> memref<128xi32, #tpu.memory_space<hbm>>
        %dma_start3A_22 = tpu.memref_slice %arg7[%add3A_13] : memref<65536xi32, #tpu.memory_space<hbm>> -> memref<128xi32, #tpu.memory_space<hbm>>
        tpu.enqueue_dma source(%dma_start3A_22 : memref<128xi32, #tpu.memory_space<hbm>>) target(%arg15 : memref<128xi32, #tpu.memory_space<vmem>>) target_semaphore(%run_scoped3A : memref<!tpu.dma_semaphore, #tpu.memory_space<semaphore_mem>>)
        %dma_wait3A = tpu.memref_slice %arg7[%add3A_13] : memref<65536xi32, #tpu.memory_space<hbm>> -> memref<128xi32, #tpu.memory_space<hbm>>
        %dma_wait3A_23 = tpu.memref_slice %arg7[%add3A_13] : memref<65536xi32, #tpu.memory_space<hbm>> -> memref<128xi32, #tpu.memory_space<hbm>>
        tpu.wait_dma2 semaphore(%run_scoped3A : memref<!tpu.dma_semaphore, #tpu.memory_space<semaphore_mem>>) src(%dma_wait3A_23 : memref<128xi32, #tpu.memory_space<hbm>>) dst(%arg15 : memref<128xi32, #tpu.memory_space<vmem>>)
        tpu.yield
      }) : () -> ()
      "tpu.region"() ({
        %run_scoped3A = tpu.sem_alloc : memref<!tpu.dma_semaphore, #tpu.memory_space<semaphore_mem>>
        %dma_start3A = tpu.memref_slice %arg8[%add3A_13] : memref<65536xi32, #tpu.memory_space<hbm>> -> memref<128xi32, #tpu.memory_space<hbm>>
        %dma_start3A_22 = tpu.memref_slice %arg8[%add3A_13] : memref<65536xi32, #tpu.memory_space<hbm>> -> memref<128xi32, #tpu.memory_space<hbm>>
        tpu.enqueue_dma source(%dma_start3A_22 : memref<128xi32, #tpu.memory_space<hbm>>) target(%arg16 : memref<128xi32, #tpu.memory_space<vmem>>) target_semaphore(%run_scoped3A : memref<!tpu.dma_semaphore, #tpu.memory_space<semaphore_mem>>)
        %dma_wait3A = tpu.memref_slice %arg8[%add3A_13] : memref<65536xi32, #tpu.memory_space<hbm>> -> memref<128xi32, #tpu.memory_space<hbm>>
        %dma_wait3A_23 = tpu.memref_slice %arg8[%add3A_13] : memref<65536xi32, #tpu.memory_space<hbm>> -> memref<128xi32, #tpu.memory_space<hbm>>
        tpu.wait_dma2 semaphore(%run_scoped3A : memref<!tpu.dma_semaphore, #tpu.memory_space<semaphore_mem>>) src(%dma_wait3A_23 : memref<128xi32, #tpu.memory_space<hbm>>) dst(%arg16 : memref<128xi32, #tpu.memory_space<vmem>>)
        tpu.yield
      }) : () -> ()
      "tpu.region"() ({
        %run_scoped3A = tpu.sem_alloc : memref<!tpu.dma_semaphore, #tpu.memory_space<semaphore_mem>>
        %dma_start3A = tpu.memref_slice %arg9[%add3A_13] : memref<65536xi32, #tpu.memory_space<hbm>> -> memref<128xi32, #tpu.memory_space<hbm>>
        %dma_start3A_22 = tpu.memref_slice %arg9[%add3A_13] : memref<65536xi32, #tpu.memory_space<hbm>> -> memref<128xi32, #tpu.memory_space<hbm>>
        tpu.enqueue_dma source(%dma_start3A_22 : memref<128xi32, #tpu.memory_space<hbm>>) target(%arg17 : memref<128xi32, #tpu.memory_space<vmem>>) target_semaphore(%run_scoped3A : memref<!tpu.dma_semaphore, #tpu.memory_space<semaphore_mem>>)
        %dma_wait3A = tpu.memref_slice %arg9[%add3A_13] : memref<65536xi32, #tpu.memory_space<hbm>> -> memref<128xi32, #tpu.memory_space<hbm>>
        %dma_wait3A_23 = tpu.memref_slice %arg9[%add3A_13] : memref<65536xi32, #tpu.memory_space<hbm>> -> memref<128xi32, #tpu.memory_space<hbm>>
        tpu.wait_dma2 semaphore(%run_scoped3A : memref<!tpu.dma_semaphore, #tpu.memory_space<semaphore_mem>>) src(%dma_wait3A_23 : memref<128xi32, #tpu.memory_space<hbm>>) dst(%arg17 : memref<128xi32, #tpu.memory_space<vmem>>)
        tpu.yield
      }) : () -> ()
      "tpu.region"() ({
        %run_scoped3A = tpu.sem_alloc : memref<!tpu.dma_semaphore, #tpu.memory_space<semaphore_mem>>
        %dma_start3A = tpu.memref_slice %arg10[%add3A_13] : memref<65536xi32, #tpu.memory_space<hbm>> -> memref<128xi32, #tpu.memory_space<hbm>>
        %dma_start3A_22 = tpu.memref_slice %arg10[%add3A_13] : memref<65536xi32, #tpu.memory_space<hbm>> -> memref<128xi32, #tpu.memory_space<hbm>>
        tpu.enqueue_dma source(%dma_start3A_22 : memref<128xi32, #tpu.memory_space<hbm>>) target(%arg18 : memref<128xi32, #tpu.memory_space<vmem>>) target_semaphore(%run_scoped3A : memref<!tpu.dma_semaphore, #tpu.memory_space<semaphore_mem>>)
        %dma_wait3A = tpu.memref_slice %arg10[%add3A_13] : memref<65536xi32, #tpu.memory_space<hbm>> -> memref<128xi32, #tpu.memory_space<hbm>>
        %dma_wait3A_23 = tpu.memref_slice %arg10[%add3A_13] : memref<65536xi32, #tpu.memory_space<hbm>> -> memref<128xi32, #tpu.memory_space<hbm>>
        tpu.wait_dma2 semaphore(%run_scoped3A : memref<!tpu.dma_semaphore, #tpu.memory_space<semaphore_mem>>) src(%dma_wait3A_23 : memref<128xi32, #tpu.memory_space<hbm>>) dst(%arg18 : memref<128xi32, #tpu.memory_space<vmem>>)
        tpu.yield
      }) : () -> ()
      "tpu.region"() ({
        %run_scoped3A = tpu.sem_alloc : memref<!tpu.dma_semaphore, #tpu.memory_space<semaphore_mem>>
        %dma_start3A = arith.constant 0 : i32
        %dma_start3A_22 = arith.constant 0 : i32
        %dma_start3A_23 = tpu.memref_slice %arg2[%dma_start3A, %dma_start3A_22] : memref<131072x128xf32, #tpu.memory_space<hbm>> -> memref<131072x128xf32, #tpu.memory_space<hbm>>
        tpu.enqueue_indirect_dma source(%dma_start3A_23 : memref<131072x128xf32, #tpu.memory_space<hbm>>) target(%arg19 : memref<128x128xf32, #tpu.memory_space<vmem>>) offsets(%arg13 : memref<128xi32, #tpu.memory_space<vmem>>) semaphore(%run_scoped3A : memref<!tpu.dma_semaphore, #tpu.memory_space<semaphore_mem>>)
        %dma_wait3A = arith.constant 0 : i32
        %dma_wait3A_24 = arith.constant 0 : i32
        %dma_wait3A_25 = tpu.memref_slice %arg2[%dma_wait3A, %dma_wait3A_24] : memref<131072x128xf32, #tpu.memory_space<hbm>> -> memref<131072x128xf32, #tpu.memory_space<hbm>>
        tpu.wait_indirect_dma semaphore(%run_scoped3A : memref<!tpu.dma_semaphore, #tpu.memory_space<semaphore_mem>>) src(%dma_wait3A_25 : memref<131072x128xf32, #tpu.memory_space<hbm>>) dst(%arg19 : memref<128x128xf32, #tpu.memory_space<vmem>>)
        tpu.yield
      }) : () -> ()
      "tpu.region"() ({
        %run_scoped3A = tpu.sem_alloc : memref<!tpu.dma_semaphore, #tpu.memory_space<semaphore_mem>>
        %dma_start3A = arith.constant 0 : i32
        %dma_start3A_22 = arith.constant 0 : i32
        %dma_start3A_23 = tpu.memref_slice %arg3[%dma_start3A, %dma_start3A_22] : memref<8192x128xf32, #tpu.memory_space<hbm>> -> memref<8192x128xf32, #tpu.memory_space<hbm>>
        tpu.enqueue_indirect_dma source(%dma_start3A_23 : memref<8192x128xf32, #tpu.memory_space<hbm>>) target(%arg20 : memref<128x128xf32, #tpu.memory_space<vmem>>) offsets(%arg14 : memref<128xi32, #tpu.memory_space<vmem>>) semaphore(%run_scoped3A : memref<!tpu.dma_semaphore, #tpu.memory_space<semaphore_mem>>)
        %dma_wait3A = arith.constant 0 : i32
        %dma_wait3A_24 = arith.constant 0 : i32
        %dma_wait3A_25 = tpu.memref_slice %arg3[%dma_wait3A, %dma_wait3A_24] : memref<8192x128xf32, #tpu.memory_space<hbm>> -> memref<8192x128xf32, #tpu.memory_space<hbm>>
        tpu.wait_indirect_dma semaphore(%run_scoped3A : memref<!tpu.dma_semaphore, #tpu.memory_space<semaphore_mem>>) src(%dma_wait3A_25 : memref<8192x128xf32, #tpu.memory_space<hbm>>) dst(%arg20 : memref<128x128xf32, #tpu.memory_space<vmem>>)
        tpu.yield
      }) : () -> ()
      "tpu.region"() ({
        %run_scoped3A = tpu.sem_alloc : memref<!tpu.dma_semaphore, #tpu.memory_space<semaphore_mem>>
        %dma_start3A = arith.constant 0 : i32
        %dma_start3A_22 = arith.constant 0 : i32
        %dma_start3A_23 = tpu.memref_slice %arg4[%dma_start3A, %dma_start3A_22] : memref<8192x128xf32, #tpu.memory_space<hbm>> -> memref<8192x128xf32, #tpu.memory_space<hbm>>
        tpu.enqueue_indirect_dma source(%dma_start3A_23 : memref<8192x128xf32, #tpu.memory_space<hbm>>) target(%arg21 : memref<128x128xf32, #tpu.memory_space<vmem>>) offsets(%arg15 : memref<128xi32, #tpu.memory_space<vmem>>) semaphore(%run_scoped3A : memref<!tpu.dma_semaphore, #tpu.memory_space<semaphore_mem>>)
        %dma_wait3A = arith.constant 0 : i32
        %dma_wait3A_24 = arith.constant 0 : i32
        %dma_wait3A_25 = tpu.memref_slice %arg4[%dma_wait3A, %dma_wait3A_24] : memref<8192x128xf32, #tpu.memory_space<hbm>> -> memref<8192x128xf32, #tpu.memory_space<hbm>>
        tpu.wait_indirect_dma semaphore(%run_scoped3A : memref<!tpu.dma_semaphore, #tpu.memory_space<semaphore_mem>>) src(%dma_wait3A_25 : memref<8192x128xf32, #tpu.memory_space<hbm>>) dst(%arg21 : memref<128x128xf32, #tpu.memory_space<vmem>>)
        tpu.yield
      }) : () -> ()
      %scan3A_14 = arith.constant 0 : i32
      %scan3A_15 = arith.constant 0 : i32
      %scan3A_16 = arith.constant 8 : i32
      %scan3A_17 = arith.addi %scan3A_15, %scan3A_16 : i32
      %scan3A_18 = arith.constant 1 : i32
      %scan3A_19 = scf.for %scan3A_22 = %scan3A_15 to %scan3A_17 step %scan3A_18 iter_args(%scan3A_23 = %scan3A_14) -> (i32)  : i32 {
        %mul3A_24 = arith.constant 16 : i32
        %mul3A_25 = arith.muli %scan3A_22, %mul3A_24 : i32
        %add3A_26 = vector.broadcast %mul3A_25 : i32 to vector<16xi32>
        %add3A_27 = arith.addi %iota3A, %add3A_26 : vector<16xi32>
        %mul3A_28 = arith.constant 16 : i32
        %mul3A_29 = arith.muli %scan3A_22, %mul3A_28 : i32
        %get3A = arith.index_cast %mul3A_29 : i32 to index
        %get3A_30 = tpu.vector_load %arg16[%get3A] {strides = array<i32>} : memref<128xi32, #tpu.memory_space<vmem>>, vector<16xi32>,
        %mul3A_31 = arith.constant 16 : i32
        %mul3A_32 = arith.muli %scan3A_22, %mul3A_31 : i32
        %get3A_33 = arith.index_cast %mul3A_32 : i32 to index
        %get3A_34 = tpu.vector_load %arg17[%get3A_33] {strides = array<i32>} : memref<128xi32, #tpu.memory_space<vmem>>, vector<16xi32>,
        %mul3A_35 = arith.constant 16 : i32
        %mul3A_36 = arith.muli %scan3A_22, %mul3A_35 : i32
        %get3A_37 = arith.index_cast %mul3A_36 : i32 to index
        %get3A_38 = tpu.vector_load %arg18[%get3A_37] {strides = array<i32>} : memref<128xi32, #tpu.memory_space<vmem>>, vector<16xi32>,
        %gather3A = tpu.vector_load_idx %arg19[%add3A_27, %get3A_30] : memref<128x128xf32, #tpu.memory_space<vmem>>[vector<16xi32>, vector<16xi32>], vector<16xf32>,
        %gather3A_39 = tpu.vector_load_idx %arg20[%add3A_27, %get3A_34] : memref<128x128xf32, #tpu.memory_space<vmem>>[vector<16xi32>, vector<16xi32>], vector<16xf32>,
        %gather3A_40 = tpu.vector_load_idx %arg21[%add3A_27, %get3A_38] : memref<128x128xf32, #tpu.memory_space<vmem>>[vector<16xi32>, vector<16xi32>], vector<16xf32>,
        %add3A_41 = arith.addf %gather3A, %gather3A_39 : vector<16xf32>
        %mul3A_42 = arith.constant 0.0883883461 : f32
        %mul3A_43 = vector.broadcast %mul3A_42 : f32 to vector<16xf32>
        %mul3A_44 = arith.mulf %add3A_41, %mul3A_43 : vector<16xf32>
        %exp3A = math.exp %mul3A_44 : vector<16xf32>
        %mul3A_45 = arith.constant 16 : i32
        %mul3A_46 = arith.muli %scan3A_22, %mul3A_45 : i32
        %swap3A = arith.index_cast %mul3A_46 : i32 to index
        %swap3A_47 = tpu.vector_load %arg22[%swap3A] {strides = array<i32>} : memref<128xf32, #tpu.memory_space<vmem>>, vector<16xf32>,
        tpu.vector_store %arg22[%swap3A], %exp3A {strides = array<i32>} : memref<128xf32, #tpu.memory_space<vmem>>, vector<16xf32>,
        %add3A_48 = arith.addf %gather3A, %gather3A_40 : vector<16xf32>
        %mul3A_49 = arith.constant 0.0883883461 : f32
        %mul3A_50 = vector.broadcast %mul3A_49 : f32 to vector<16xf32>
        %mul3A_51 = arith.mulf %add3A_48, %mul3A_50 : vector<16xf32>
        %exp3A_52 = math.exp %mul3A_51 : vector<16xf32>
        %mul3A_53 = arith.constant 16 : i32
        %mul3A_54 = arith.muli %scan3A_22, %mul3A_53 : i32
        %swap3A_55 = arith.index_cast %mul3A_54 : i32 to index
        %swap3A_56 = tpu.vector_load %arg23[%swap3A_55] {strides = array<i32>} : memref<128xf32, #tpu.memory_space<vmem>>, vector<16xf32>,
        tpu.vector_store %arg23[%swap3A_55], %exp3A_52 {strides = array<i32>} : memref<128xf32, #tpu.memory_space<vmem>>, vector<16xf32>,
        %scan3A_57 = arith.constant 0 : i32
        scf.yield %scan3A_57 : i32
      }
      %scan3A_20 = arith.constant 8 : i32
      "tpu.region"() ({
        %run_scoped3A = tpu.sem_alloc : memref<!tpu.dma_semaphore, #tpu.memory_space<semaphore_mem>>
        %dma_start3A = tpu.memref_slice %arg11[%add3A_13] : memref<65536xf32, #tpu.memory_space<hbm>> -> memref<128xf32, #tpu.memory_space<hbm>>
        %dma_start3A_22 = tpu.memref_slice %arg11[%add3A_13] : memref<65536xf32, #tpu.memory_space<hbm>> -> memref<128xf32, #tpu.memory_space<hbm>>
        tpu.enqueue_dma source(%arg22 : memref<128xf32, #tpu.memory_space<vmem>>) target(%dma_start3A_22 : memref<128xf32, #tpu.memory_space<hbm>>) target_semaphore(%run_scoped3A : memref<!tpu.dma_semaphore, #tpu.memory_space<semaphore_mem>>)
        %dma_wait3A = tpu.memref_slice %arg11[%add3A_13] : memref<65536xf32, #tpu.memory_space<hbm>> -> memref<128xf32, #tpu.memory_space<hbm>>
        %dma_wait3A_23 = tpu.memref_slice %arg11[%add3A_13] : memref<65536xf32, #tpu.memory_space<hbm>> -> memref<128xf32, #tpu.memory_space<hbm>>
        tpu.wait_dma2 semaphore(%run_scoped3A : memref<!tpu.dma_semaphore, #tpu.memory_space<semaphore_mem>>) src(%arg22 : memref<128xf32, #tpu.memory_space<vmem>>) dst(%dma_wait3A_23 : memref<128xf32, #tpu.memory_space<hbm>>)
        tpu.yield
      }) : () -> ()
      "tpu.region"() ({
        %run_scoped3A = tpu.sem_alloc : memref<!tpu.dma_semaphore, #tpu.memory_space<semaphore_mem>>
        %dma_start3A = tpu.memref_slice %arg12[%add3A_13] : memref<65536xf32, #tpu.memory_space<hbm>> -> memref<128xf32, #tpu.memory_space<hbm>>
        %dma_start3A_22 = tpu.memref_slice %arg12[%add3A_13] : memref<65536xf32, #tpu.memory_space<hbm>> -> memref<128xf32, #tpu.memory_space<hbm>>
        tpu.enqueue_dma source(%arg23 : memref<128xf32, #tpu.memory_space<vmem>>) target(%dma_start3A_22 : memref<128xf32, #tpu.memory_space<hbm>>) target_semaphore(%run_scoped3A : memref<!tpu.dma_semaphore, #tpu.memory_space<semaphore_mem>>)
        %dma_wait3A = tpu.memref_slice %arg12[%add3A_13] : memref<65536xf32, #tpu.memory_space<hbm>> -> memref<128xf32, #tpu.memory_space<hbm>>
        %dma_wait3A_23 = tpu.memref_slice %arg12[%add3A_13] : memref<65536xf32, #tpu.memory_space<hbm>> -> memref<128xf32, #tpu.memory_space<hbm>>
        tpu.wait_dma2 semaphore(%run_scoped3A : memref<!tpu.dma_semaphore, #tpu.memory_space<semaphore_mem>>) src(%arg23 : memref<128xf32, #tpu.memory_space<vmem>>) dst(%dma_wait3A_23 : memref<128xf32, #tpu.memory_space<hbm>>)
        tpu.yield
      }) : () -> ()
      %scan3A_21 = arith.constant 0 : i32
      scf.yield %scan3A_21 : i32
    }
    %scan3A_6 = arith.constant 16 : i32
    return
  }
}

module attributes {stable_mosaic.version = 14 : i64} {
  func.func @body(%arg0: i32, %arg1: memref<512x128xf32, #tpu.memory_space<vmem>>, %arg2: memref<512x128xf32, #tpu.memory_space<vmem>>, %arg3: memref<128x128xf32, #tpu.memory_space<vmem>>, %arg4: memref<128x128xf32, #tpu.memory_space<vmem>>, %arg5: memref<512x128xf32, #tpu.memory_space<vmem>>, %arg6: memref<512x128xf32, #tpu.memory_space<vmem>>) attributes {dimension_semantics = [#tpu.dimension_semantics<arbitrary>], iteration_bounds = array<i64: 8>, scalar_prefetch = 0 : i64, scratch_operands = 0 : i64, tpu.core_type = #tpu.core_type<tc>, window_params = [{transform_indices = @transform_0, window_bounds = array<i64: 512, 128>}, {transform_indices = @transform_1, window_bounds = array<i64: 512, 128>}, {pipeline_mode = #tpu.pipeline_mode<synchronous>, transform_indices = @transform_2, window_bounds = array<i64: 128, 128>}, {pipeline_mode = #tpu.pipeline_mode<synchronous>, transform_indices = @transform_3, window_bounds = array<i64: 128, 128>}, {transform_indices = @transform_4, window_bounds = array<i64: 512, 128>}, {transform_indices = @transform_5, window_bounds = array<i64: 512, 128>}]} {
    %get3A = arith.constant 0 : index
    %get3A_0 = arith.constant 0 : index
    %get3A_1 = vector.load %arg1[%get3A, %get3A_0] : memref<512x128xf32, #tpu.memory_space<vmem>>, vector<512x128xf32>
    %get3A_2 = arith.constant 0 : index
    %get3A_3 = arith.constant 0 : index
    %get3A_4 = vector.load %arg4[%get3A_2, %get3A_3] : memref<128x128xf32, #tpu.memory_space<vmem>>, vector<128x128xf32>
    %dot_general3A = arith.constant dense<0.000000e+00> : vector<512x128xf32>
    %dot_general3A_5 = tpu.matmul %get3A_1, %get3A_4, %dot_general3A {dimension_numbers = #tpu.dot_dimension_numbers<[1], [1], [0], [0], [0, 0, 1, 0], [], []>, transpose_lhs_hint = false} : vector<512x128xf32>, vector<128x128xf32>, vector<512x128xf32> -> vector<512x128xf32>
    %swap3A = arith.constant 0 : index
    %swap3A_6 = arith.constant 0 : index
    %swap3A_7 = vector.load %arg5[%swap3A, %swap3A_6] : memref<512x128xf32, #tpu.memory_space<vmem>>, vector<512x128xf32>
    tpu.vector_store %arg5[%swap3A, %swap3A_6], %dot_general3A_5 {strides = array<i32>} : memref<512x128xf32, #tpu.memory_space<vmem>>, vector<512x128xf32>,
    %get3A_8 = arith.constant 0 : index
    %get3A_9 = arith.constant 0 : index
    %get3A_10 = vector.load %arg2[%get3A_8, %get3A_9] : memref<512x128xf32, #tpu.memory_space<vmem>>, vector<512x128xf32>
    %get3A_11 = arith.constant 0 : index
    %get3A_12 = arith.constant 0 : index
    %get3A_13 = vector.load %arg3[%get3A_11, %get3A_12] : memref<128x128xf32, #tpu.memory_space<vmem>>, vector<128x128xf32>
    %dot_general3A_14 = arith.constant dense<0.000000e+00> : vector<512x128xf32>
    %dot_general3A_15 = tpu.matmul %get3A_10, %get3A_13, %dot_general3A_14 {dimension_numbers = #tpu.dot_dimension_numbers<[1], [1], [0], [0], [0, 0, 1, 0], [], []>, transpose_lhs_hint = false} : vector<512x128xf32>, vector<128x128xf32>, vector<512x128xf32> -> vector<512x128xf32>
    %swap3A_16 = arith.constant 0 : index
    %swap3A_17 = arith.constant 0 : index
    %swap3A_18 = vector.load %arg6[%swap3A_16, %swap3A_17] : memref<512x128xf32, #tpu.memory_space<vmem>>, vector<512x128xf32>
    tpu.vector_store %arg6[%swap3A_16, %swap3A_17], %dot_general3A_15 {strides = array<i32>} : memref<512x128xf32, #tpu.memory_space<vmem>>, vector<512x128xf32>,
    return
  }
  func.func @transform_0(%arg0: i32) -> (i32, i32) {
    %c0_i32 = arith.constant 0 : i32
    %c0_i32_0 = arith.constant 0 : i32
    return %arg0, %c0_i32 : i32, i32
  }
  func.func @transform_1(%arg0: i32) -> (i32, i32) {
    %c0_i32 = arith.constant 0 : i32
    %c0_i32_0 = arith.constant 0 : i32
    return %arg0, %c0_i32 : i32, i32
  }
  func.func @transform_2(%arg0: i32) -> (i32, i32) {
    %c0_i32 = arith.constant 0 : i32
    %c0_i32_0 = arith.constant 0 : i32
    %c0_i32_1 = arith.constant 0 : i32
    return %c0_i32, %c0_i32_0 : i32, i32
  }
  func.func @transform_3(%arg0: i32) -> (i32, i32) {
    %c0_i32 = arith.constant 0 : i32
    %c0_i32_0 = arith.constant 0 : i32
    %c0_i32_1 = arith.constant 0 : i32
    return %c0_i32, %c0_i32_0 : i32, i32
  }
  func.func @transform_4(%arg0: i32) -> (i32, i32) {
    %c0_i32 = arith.constant 0 : i32
    %c0_i32_0 = arith.constant 0 : i32
    return %arg0, %c0_i32 : i32, i32
  }
  func.func @transform_5(%arg0: i32) -> (i32, i32) {
    %c0_i32 = arith.constant 0 : i32
    %c0_i32_0 = arith.constant 0 : i32
    return %arg0, %c0_i32 : i32, i32
  }
}

module attributes {stable_mosaic.version = 14 : i64} {
  func.func @body(%arg0: i32, %arg1: memref<512x128xf32, #tpu.memory_space<vmem>>, %arg2: memref<512x128xf32, #tpu.memory_space<vmem>>, %arg3: memref<4096x128xf32, #tpu.memory_space<vmem>>, %arg4: memref<256x128xf32, #tpu.memory_space<vmem>>, %arg5: memref<256x128xf32, #tpu.memory_space<vmem>>, %arg6: memref<512x4096xf32, #tpu.memory_space<vmem>>, %arg7: memref<512x256xf32, #tpu.memory_space<vmem>>, %arg8: memref<512x256xf32, #tpu.memory_space<vmem>>) attributes {dimension_semantics = [#tpu.dimension_semantics<arbitrary>], iteration_bounds = array<i64: 8>, scalar_prefetch = 0 : i64, scratch_operands = 0 : i64, tpu.core_type = #tpu.core_type<tc>, window_params = [{transform_indices = @transform_0, window_bounds = array<i64: 512, 128>}, {transform_indices = @transform_1, window_bounds = array<i64: 512, 128>}, {pipeline_mode = #tpu.pipeline_mode<synchronous>, transform_indices = @transform_2, window_bounds = array<i64: 4096, 128>}, {pipeline_mode = #tpu.pipeline_mode<synchronous>, transform_indices = @transform_3, window_bounds = array<i64: 256, 128>}, {pipeline_mode = #tpu.pipeline_mode<synchronous>, transform_indices = @transform_4, window_bounds = array<i64: 256, 128>}, {transform_indices = @transform_5, window_bounds = array<i64: 512, 4096>}, {transform_indices = @transform_6, window_bounds = array<i64: 512, 256>}, {transform_indices = @transform_7, window_bounds = array<i64: 512, 256>}]} {
    %get3A = arith.constant 0 : index
    %get3A_0 = arith.constant 0 : index
    %get3A_1 = vector.load %arg1[%get3A, %get3A_0] : memref<512x128xf32, #tpu.memory_space<vmem>>, vector<512x128xf32>
    %get3A_2 = arith.constant 0 : index
    %get3A_3 = arith.constant 0 : index
    %get3A_4 = vector.load %arg3[%get3A_2, %get3A_3] : memref<4096x128xf32, #tpu.memory_space<vmem>>, vector<4096x128xf32>
    %dot_general3A = arith.constant dense<0.000000e+00> : vector<512x4096xf32>
    %dot_general3A_5 = tpu.matmul %get3A_1, %get3A_4, %dot_general3A {dimension_numbers = #tpu.dot_dimension_numbers<[1], [1], [0], [0], [0, 0, 1, 0], [], []>, transpose_lhs_hint = false} : vector<512x128xf32>, vector<4096x128xf32>, vector<512x4096xf32> -> vector<512x4096xf32>
    %swap3A = arith.constant 0 : index
    %swap3A_6 = arith.constant 0 : index
    %swap3A_7 = vector.load %arg6[%swap3A, %swap3A_6] : memref<512x4096xf32, #tpu.memory_space<vmem>>, vector<512x4096xf32>
    tpu.vector_store %arg6[%swap3A, %swap3A_6], %dot_general3A_5 {strides = array<i32>} : memref<512x4096xf32, #tpu.memory_space<vmem>>, vector<512x4096xf32>,
    %get3A_8 = arith.constant 0 : index
    %get3A_9 = arith.constant 0 : index
    %get3A_10 = vector.load %arg1[%get3A_8, %get3A_9] : memref<512x128xf32, #tpu.memory_space<vmem>>, vector<512x128xf32>
    %get3A_11 = arith.constant 0 : index
    %get3A_12 = arith.constant 0 : index
    %get3A_13 = vector.load %arg4[%get3A_11, %get3A_12] : memref<256x128xf32, #tpu.memory_space<vmem>>, vector<256x128xf32>
    %dot_general3A_14 = arith.constant dense<0.000000e+00> : vector<512x256xf32>
    %dot_general3A_15 = tpu.matmul %get3A_10, %get3A_13, %dot_general3A_14 {dimension_numbers = #tpu.dot_dimension_numbers<[1], [1], [0], [0], [0, 0, 1, 0], [], []>, transpose_lhs_hint = false} : vector<512x128xf32>, vector<256x128xf32>, vector<512x256xf32> -> vector<512x256xf32>
    %swap3A_16 = arith.constant 0 : index
    %swap3A_17 = arith.constant 0 : index
    %swap3A_18 = vector.load %arg7[%swap3A_16, %swap3A_17] : memref<512x256xf32, #tpu.memory_space<vmem>>, vector<512x256xf32>
    tpu.vector_store %arg7[%swap3A_16, %swap3A_17], %dot_general3A_15 {strides = array<i32>} : memref<512x256xf32, #tpu.memory_space<vmem>>, vector<512x256xf32>,
    %get3A_19 = arith.constant 0 : index
    %get3A_20 = arith.constant 0 : index
    %get3A_21 = vector.load %arg2[%get3A_19, %get3A_20] : memref<512x128xf32, #tpu.memory_space<vmem>>, vector<512x128xf32>
    %get3A_22 = arith.constant 0 : index
    %get3A_23 = arith.constant 0 : index
    %get3A_24 = vector.load %arg5[%get3A_22, %get3A_23] : memref<256x128xf32, #tpu.memory_space<vmem>>, vector<256x128xf32>
    %dot_general3A_25 = arith.constant dense<0.000000e+00> : vector<512x256xf32>
    %dot_general3A_26 = tpu.matmul %get3A_21, %get3A_24, %dot_general3A_25 {dimension_numbers = #tpu.dot_dimension_numbers<[1], [1], [0], [0], [0, 0, 1, 0], [], []>, transpose_lhs_hint = false} : vector<512x128xf32>, vector<256x128xf32>, vector<512x256xf32> -> vector<512x256xf32>
    %swap3A_27 = arith.constant 0 : index
    %swap3A_28 = arith.constant 0 : index
    %swap3A_29 = vector.load %arg8[%swap3A_27, %swap3A_28] : memref<512x256xf32, #tpu.memory_space<vmem>>, vector<512x256xf32>
    tpu.vector_store %arg8[%swap3A_27, %swap3A_28], %dot_general3A_26 {strides = array<i32>} : memref<512x256xf32, #tpu.memory_space<vmem>>, vector<512x256xf32>,
    return
  }
  func.func @transform_0(%arg0: i32) -> (i32, i32) {
    %c0_i32 = arith.constant 0 : i32
    %c0_i32_0 = arith.constant 0 : i32
    return %arg0, %c0_i32 : i32, i32
  }
  func.func @transform_1(%arg0: i32) -> (i32, i32) {
    %c0_i32 = arith.constant 0 : i32
    %c0_i32_0 = arith.constant 0 : i32
    return %arg0, %c0_i32 : i32, i32
  }
  func.func @transform_2(%arg0: i32) -> (i32, i32) {
    %c0_i32 = arith.constant 0 : i32
    %c0_i32_0 = arith.constant 0 : i32
    %c0_i32_1 = arith.constant 0 : i32
    return %c0_i32, %c0_i32_0 : i32, i32
  }
  func.func @transform_3(%arg0: i32) -> (i32, i32) {
    %c0_i32 = arith.constant 0 : i32
    %c0_i32_0 = arith.constant 0 : i32
    %c0_i32_1 = arith.constant 0 : i32
    return %c0_i32, %c0_i32_0 : i32, i32
  }
  func.func @transform_4(%arg0: i32) -> (i32, i32) {
    %c0_i32 = arith.constant 0 : i32
    %c0_i32_0 = arith.constant 0 : i32
    %c0_i32_1 = arith.constant 0 : i32
    return %c0_i32, %c0_i32_0 : i32, i32
  }
  func.func @transform_5(%arg0: i32) -> (i32, i32) {
    %c0_i32 = arith.constant 0 : i32
    %c0_i32_0 = arith.constant 0 : i32
    return %arg0, %c0_i32 : i32, i32
  }
  func.func @transform_6(%arg0: i32) -> (i32, i32) {
    %c0_i32 = arith.constant 0 : i32
    %c0_i32_0 = arith.constant 0 : i32
    return %arg0, %c0_i32 : i32, i32
  }
  func.func @transform_7(%arg0: i32) -> (i32, i32) {
    %c0_i32 = arith.constant 0 : i32
    %c0_i32_0 = arith.constant 0 : i32
    return %arg0, %c0_i32 : i32, i32
  }
}

module attributes {stable_mosaic.version = 14 : i64} {
  func.func @body(%arg0: i32, %arg1: memref<1x512xi32, #tpu.memory_space<vmem>>, %arg2: memref<512x128xi32, #tpu.memory_space<vmem>>, %arg3: memref<512x128xi32, #tpu.memory_space<vmem>>, %arg4: memref<1x512xf32, #tpu.memory_space<vmem>>, %arg5: memref<4096x128xbf16, #tpu.memory_space<vmem>>, %arg6: memref<256x128xbf16, #tpu.memory_space<vmem>>, %arg7: memref<4096x128xf32, #tpu.memory_space<vmem>>, %arg8: memref<4096x256xf32, #tpu.memory_space<vmem>>) attributes {dimension_semantics = [#tpu.dimension_semantics<arbitrary>], iteration_bounds = array<i64: 128>, scalar_prefetch = 0 : i64, scratch_operands = 1 : i64, tpu.core_type = #tpu.core_type<tc>, window_params = [{transform_indices = @transform_0, window_bounds = array<i64: 1, 512>}, {pipeline_mode = #tpu.pipeline_mode<synchronous>, transform_indices = @transform_1, window_bounds = array<i64: 512, 128>}, {pipeline_mode = #tpu.pipeline_mode<synchronous>, transform_indices = @transform_2, window_bounds = array<i64: 512, 128>}, {transform_indices = @transform_3, window_bounds = array<i64: 1, 512>}, {pipeline_mode = #tpu.pipeline_mode<synchronous>, transform_indices = @transform_4, window_bounds = array<i64: 4096, 128>}, {pipeline_mode = #tpu.pipeline_mode<synchronous>, transform_indices = @transform_5, window_bounds = array<i64: 256, 128>}, {pipeline_mode = #tpu.pipeline_mode<synchronous>, transform_indices = @transform_6, window_bounds = array<i64: 4096, 128>}]} {
    %eq3A = arith.constant 0 : i32
    %eq3A_0 = arith.cmpi eq, %arg0, %eq3A : i32
    %convert_element_type3A = arith.extui %eq3A_0 : i1 to i32
    %cond3A = arith.constant 0 : i32
    %cond3A_1 = arith.cmpi ne, %convert_element_type3A, %cond3A : i32
    scf.if %cond3A_1 {
      %broadcast_in_dim3A_75 = arith.constant 0.000000e+00 : f32
      %broadcast_in_dim3A_76 = vector.broadcast %broadcast_in_dim3A_75 : f32 to vector<4096x256xf32>
      %swap3A_77 = arith.constant 0 : index
      %swap3A_78 = arith.constant 0 : index
      %swap3A_79 = vector.load %arg8[%swap3A_77, %swap3A_78] : memref<4096x256xf32, #tpu.memory_space<vmem>>, vector<4096x256xf32>
      tpu.vector_store %arg8[%swap3A_77, %swap3A_78], %broadcast_in_dim3A_76 {strides = array<i32>} : memref<4096x256xf32, #tpu.memory_space<vmem>>, vector<4096x256xf32>,
    } else {
    }
    %iota3A = tpu.iota {dimensions = array<i32: 1>} : vector<512x128xi32>
    %eq3A_2 = vector.broadcast %arg0 : i32 to vector<512x128xi32>
    %eq3A_3 = arith.cmpi eq, %iota3A, %eq3A_2 : vector<512x128xi32>
    %get3A = arith.constant 0 : index
    %get3A_4 = arith.constant 0 : index
    %get3A_5 = vector.load %arg2[%get3A, %get3A_4] : memref<512x128xi32, #tpu.memory_space<vmem>>, vector<512x128xi32>
    %jit3A = arith.constant 0 : i32
    %broadcast_in_dim3A = vector.broadcast %jit3A : i32 to vector<512x128xi32>
    %select_n3A = arith.select %eq3A_3, %get3A_5, %broadcast_in_dim3A : vector<512x128xi1>, vector<512x128xi32>
    %reduce_sum3A = arith.constant dense<0> : vector<512xi32>
    %reduce_sum3A_6 = vector.multi_reduction <add>, %select_n3A, %reduce_sum3A [1] : vector<512x128xi32> to vector<512xi32>
    %broadcast_in_dim3A_7 = vector.shape_cast %reduce_sum3A_6 : vector<512xi32> to vector<512x1xi32>
    %eq3A_8 = vector.broadcast %arg0 : i32 to vector<512x128xi32>
    %eq3A_9 = arith.cmpi eq, %iota3A, %eq3A_8 : vector<512x128xi32>
    %get3A_10 = arith.constant 0 : index
    %get3A_11 = arith.constant 0 : index
    %get3A_12 = vector.load %arg3[%get3A_10, %get3A_11] : memref<512x128xi32, #tpu.memory_space<vmem>>, vector<512x128xi32>
    %jit3A_13 = arith.constant 0 : i32
    %broadcast_in_dim3A_14 = vector.broadcast %jit3A_13 : i32 to vector<512x128xi32>
    %select_n3A_15 = arith.select %eq3A_9, %get3A_12, %broadcast_in_dim3A_14 : vector<512x128xi1>, vector<512x128xi32>
    %reduce_sum3A_16 = arith.constant dense<0> : vector<512xi32>
    %reduce_sum3A_17 = vector.multi_reduction <add>, %select_n3A_15, %reduce_sum3A_16 [1] : vector<512x128xi32> to vector<512xi32>
    %broadcast_in_dim3A_18 = vector.shape_cast %reduce_sum3A_17 : vector<512xi32> to vector<512x1xi32>
    %get3A_19 = arith.constant 0 : index
    %get3A_20 = arith.constant 0 : index
    %get3A_21 = vector.load %arg1[%get3A_19, %get3A_20] : memref<1x512xi32, #tpu.memory_space<vmem>>, vector<1x512xi32>
    %get3A_22 = arith.constant 0 : index
    %get3A_23 = arith.constant 0 : index
    %get3A_24 = vector.load %arg4[%get3A_22, %get3A_23] : memref<1x512xf32, #tpu.memory_space<vmem>>, vector<1x512xf32>
    %iota3A_25 = tpu.iota {dimensions = array<i32: 1>} : vector<512x4096xi32>
    %eq3A_26 = vector.broadcast %broadcast_in_dim3A_7 : vector<512x1xi32> to vector<512x4096xi32>
    %eq3A_27 = arith.cmpi eq, %eq3A_26, %iota3A_25 : vector<512x4096xi32>
    %convert_element_type3A_28 = arith.extui %eq3A_27 : vector<512x4096xi1> to vector<512x4096xi32>
    %convert_element_type3A_29 = arith.sitofp %convert_element_type3A_28 : vector<512x4096xi32> to vector<512x4096xf32>
    %convert_element_type3A_30 = arith.truncf %convert_element_type3A_29 : vector<512x4096xf32> to vector<512x4096xbf16>
    %get3A_31 = arith.constant 0 : index
    %get3A_32 = arith.constant 0 : index
    %get3A_33 = vector.load %arg5[%get3A_31, %get3A_32] : memref<4096x128xbf16, #tpu.memory_space<vmem>>, vector<4096x128xbf16>
    %dot_general3A = arith.constant dense<0.000000e+00> : vector<512x128xf32>
    %dot_general3A_34 = tpu.matmul %convert_element_type3A_30, %get3A_33, %dot_general3A {dimension_numbers = #tpu.dot_dimension_numbers<[1], [0], [0], [1], [0, 0, 1, 1], [], []>, transpose_lhs_hint = false} : vector<512x4096xbf16>, vector<4096x128xbf16>, vector<512x128xf32> -> vector<512x128xf32>
    %iota3A_35 = tpu.iota {dimensions = array<i32: 1>} : vector<512x256xi32>
    %eq3A_36 = vector.broadcast %broadcast_in_dim3A_18 : vector<512x1xi32> to vector<512x256xi32>
    %eq3A_37 = arith.cmpi eq, %eq3A_36, %iota3A_35 : vector<512x256xi32>
    %convert_element_type3A_38 = arith.extui %eq3A_37 : vector<512x256xi1> to vector<512x256xi32>
    %convert_element_type3A_39 = arith.sitofp %convert_element_type3A_38 : vector<512x256xi32> to vector<512x256xf32>
    %convert_element_type3A_40 = arith.truncf %convert_element_type3A_39 : vector<512x256xf32> to vector<512x256xbf16>
    %get3A_41 = arith.constant 0 : index
    %get3A_42 = arith.constant 0 : index
    %get3A_43 = vector.load %arg6[%get3A_41, %get3A_42] : memref<256x128xbf16, #tpu.memory_space<vmem>>, vector<256x128xbf16>
    %dot_general3A_44 = arith.constant dense<0.000000e+00> : vector<512x128xf32>
    %dot_general3A_45 = tpu.matmul %convert_element_type3A_40, %get3A_43, %dot_general3A_44 {dimension_numbers = #tpu.dot_dimension_numbers<[1], [0], [0], [1], [0, 0, 1, 1], [], []>, transpose_lhs_hint = false} : vector<512x256xbf16>, vector<256x128xbf16>, vector<512x128xf32> -> vector<512x128xf32>
    %add3A = arith.addf %dot_general3A_34, %dot_general3A_45 : vector<512x128xf32>
    %iota3A_46 = tpu.iota {dimensions = array<i32: 1>} : vector<512x128xi32>
    %eq3A_47 = arith.constant 0 : i32
    %eq3A_48 = vector.broadcast %eq3A_47 : i32 to vector<512x128xi32>
    %eq3A_49 = arith.cmpi eq, %iota3A_46, %eq3A_48 : vector<512x128xi32>
    %convert_element_type3A_50 = arith.extui %eq3A_49 : vector<512x128xi1> to vector<512x128xi32>
    %convert_element_type3A_51 = arith.sitofp %convert_element_type3A_50 : vector<512x128xi32> to vector<512x128xf32>
    %concatenate3A = tpu.concatenate %add3A, %convert_element_type3A_51 in 1 : vector<512x128xf32>, vector<512x128xf32> -> vector<512x256xf32>
    %convert_element_type3A_52 = arith.truncf %concatenate3A : vector<512x256xf32> to vector<512x256xbf16>
    %iota3A_53 = tpu.iota {dimensions = array<i32: 0>} : vector<4096x512xi32>
    %eq3A_54 = vector.broadcast %get3A_21 : vector<1x512xi32> to vector<4096x512xi32>
    %eq3A_55 = arith.cmpi eq, %eq3A_54, %iota3A_53 : vector<4096x512xi32>
    %jit3A_56 = arith.constant 0.000000e+00 : f32
    %broadcast_in_dim3A_57 = vector.shape_cast %get3A_24 : vector<1x512xf32> to vector<1x512xf32>
    %broadcast_in_dim3A_58 = vector.broadcast %broadcast_in_dim3A_57 : vector<1x512xf32> to vector<4096x512xf32>
    %broadcast_in_dim3A_59 = vector.broadcast %jit3A_56 : f32 to vector<4096x512xf32>
    %select_n3A_60 = arith.select %eq3A_55, %broadcast_in_dim3A_58, %broadcast_in_dim3A_59 : vector<4096x512xi1>, vector<4096x512xf32>
    %convert_element_type3A_61 = arith.truncf %select_n3A_60 : vector<4096x512xf32> to vector<4096x512xbf16>
    %get3A_62 = arith.constant 0 : index
    %get3A_63 = arith.constant 0 : index
    %get3A_64 = vector.load %arg8[%get3A_62, %get3A_63] : memref<4096x256xf32, #tpu.memory_space<vmem>>, vector<4096x256xf32>
    %dot_general3A_65 = arith.constant dense<0.000000e+00> : vector<4096x256xf32>
    %dot_general3A_66 = tpu.matmul %convert_element_type3A_61, %convert_element_type3A_52, %dot_general3A_65 {dimension_numbers = #tpu.dot_dimension_numbers<[1], [0], [0], [1], [0, 0, 1, 1], [], []>, transpose_lhs_hint = false} : vector<4096x512xbf16>, vector<512x256xbf16>, vector<4096x256xf32> -> vector<4096x256xf32>
    %add3A_67 = arith.addf %get3A_64, %dot_general3A_66 : vector<4096x256xf32>
    %swap3A = arith.constant 0 : index
    %swap3A_68 = arith.constant 0 : index
    %swap3A_69 = vector.load %arg8[%swap3A, %swap3A_68] : memref<4096x256xf32, #tpu.memory_space<vmem>>, vector<4096x256xf32>
    tpu.vector_store %arg8[%swap3A, %swap3A_68], %add3A_67 {strides = array<i32>} : memref<4096x256xf32, #tpu.memory_space<vmem>>, vector<4096x256xf32>,
    %eq3A_70 = arith.constant 127 : i32
    %eq3A_71 = arith.cmpi eq, %arg0, %eq3A_70 : i32
    %convert_element_type3A_72 = arith.extui %eq3A_71 : i1 to i32
    %cond3A_73 = arith.constant 0 : i32
    %cond3A_74 = arith.cmpi ne, %convert_element_type3A_72, %cond3A_73 : i32
    scf.if %cond3A_74 {
      %get3A_75 = arith.constant 0 : index
      %get3A_76 = arith.constant 128 : index
      %get3A_77 = vector.load %arg8[%get3A_75, %get3A_76] : memref<4096x256xf32, #tpu.memory_space<vmem>>, vector<4096x1xf32>
      %eq3A_78 = arith.constant 0.000000e+00 : f32
      %eq3A_79 = vector.broadcast %eq3A_78 : f32 to vector<4096x1xf32>
      %eq3A_80 = arith.cmpf oeq, %get3A_77, %eq3A_79 : vector<4096x1xf32>
      %jit3A_81 = arith.constant 1.000000e+00 : f32
      %broadcast_in_dim3A_82 = vector.broadcast %jit3A_81 : f32 to vector<4096x1xf32>
      %select_n3A_83 = arith.select %eq3A_80, %broadcast_in_dim3A_82, %get3A_77 : vector<4096x1xi1>, vector<4096x1xf32>
      %get3A_84 = arith.constant 0 : index
      %get3A_85 = arith.constant 0 : index
      %get3A_86 = vector.load %arg8[%get3A_84, %get3A_85] : memref<4096x256xf32, #tpu.memory_space<vmem>>, vector<4096x128xf32>
      %div3A = vector.broadcast %select_n3A_83 : vector<4096x1xf32> to vector<4096x128xf32>
      %div3A_87 = arith.divf %get3A_86, %div3A : vector<4096x128xf32>
      %swap3A_88 = arith.constant 0 : index
      %swap3A_89 = arith.constant 0 : index
      %swap3A_90 = vector.load %arg7[%swap3A_88, %swap3A_89] : memref<4096x128xf32, #tpu.memory_space<vmem>>, vector<4096x128xf32>
      tpu.vector_store %arg7[%swap3A_88, %swap3A_89], %div3A_87 {strides = array<i32>} : memref<4096x128xf32, #tpu.memory_space<vmem>>, vector<4096x128xf32>,
    } else {
    }
    return
  }
  func.func @transform_0(%arg0: i32) -> (i32, i32) {
    %c0_i32 = arith.constant 0 : i32
    %c0_i32_0 = arith.constant 0 : i32
    return %c0_i32, %arg0 : i32, i32
  }
  func.func @transform_1(%arg0: i32) -> (i32, i32) {
    %c0_i32 = arith.constant 0 : i32
    %c0_i32_0 = arith.constant 0 : i32
    %c0_i32_1 = arith.constant 0 : i32
    return %c0_i32, %c0_i32_0 : i32, i32
  }
  func.func @transform_2(%arg0: i32) -> (i32, i32) {
    %c0_i32 = arith.constant 0 : i32
    %c0_i32_0 = arith.constant 0 : i32
    %c0_i32_1 = arith.constant 0 : i32
    return %c0_i32, %c0_i32_0 : i32, i32
  }
  func.func @transform_3(%arg0: i32) -> (i32, i32) {
    %c0_i32 = arith.constant 0 : i32
    %c0_i32_0 = arith.constant 0 : i32
    return %c0_i32, %arg0 : i32, i32
  }
  func.func @transform_4(%arg0: i32) -> (i32, i32) {
    %c0_i32 = arith.constant 0 : i32
    %c0_i32_0 = arith.constant 0 : i32
    %c0_i32_1 = arith.constant 0 : i32
    return %c0_i32, %c0_i32_0 : i32, i32
  }
  func.func @transform_5(%arg0: i32) -> (i32, i32) {
    %c0_i32 = arith.constant 0 : i32
    %c0_i32_0 = arith.constant 0 : i32
    %c0_i32_1 = arith.constant 0 : i32
    return %c0_i32, %c0_i32_0 : i32, i32
  }
  func.func @transform_6(%arg0: i32) -> (i32, i32) {
    %c0_i32 = arith.constant 0 : i32
    %c0_i32_0 = arith.constant 0 : i32
    %c0_i32_1 = arith.constant 0 : i32
    return %c0_i32, %c0_i32_0 : i32, i32
  }
}

</mosaic_0001>

<sc_bundles>
// kernel: kernel.7.cloned.1.call-start
scs
__scs_entry_jumppad:
0x0: {  	(pc) =	sbr.rel $0x88, $3  }
0x1: {  	(tag) =	ssettag $0x0;
	lr =	simm.s32 $0x1  }
0x2: {  	[smem:$0x3F98] =	sst lr;
	_ =	strace $0xD0000000  }
0x3: {  	_ = 	snop  }
0x4: {  	_ = 	snop  }
0x5: {  	_ = 	snop  }
0x6: {  	_ = 	snop  }
0x7: {  	_ = 	snop  }
__scs_overlays_trampoline_lowered:
0x8: {  	[smem:$0x3FA7] =	sst s0  }
0x9: {  	[smem:$0x3FA8] =	sst s1  }
0xa: {  	[smem:$0x3FA9] =	sst s2  }
0xb: {  	[smem:$0x3FAA] =	sst s3  }
0xc: {  	[smem:$0x3FAB] =	sst s4  }
0xd: {  	[smem:$0x3FAC] =	sst s5  }
0xe: {  	[smem:$0x3FAD] =	sst s6  }
0xf: {  	[smem:$0x3FAE] =	sst s7  }
0x10: {  	[smem:$0x3FAF] =	sst s8  }
0x11: {  	[smem:$0x3FB0] =	sst s9;
	s0 =	simm.s32 @!p0 $0x0  }
0x12: {  	s1 =	sld [smem:$0x3F96];
	s0 =	simm.s32 @p0 $0x1  }
0x13: {  	[smem:$0x3FB1] =	sst s0;
	s0 =	simm.s32 @!p1 $0x0  }
0x14: {  	s2 =	sld [smem:$0x3F95];
	s0 =	simm.s32 @p1 $0x1  }
0x15: {  	[smem:$0x3FB2] =	sst s0;
	s0 =	simm.s32 @!p2 $0x0  }
0x16: {  	s3 =	sld [smem:$0x3FDB];
	s0 =	simm.s32 @p2 $0x1  }
0x17: {  	s4 =	simm.s32 $0x1BF5;
	[smem:$0x3FB4] =	sst s0  }
0x18: {  	s0 =	sld [smem:$0x3F97];
	_ =	swait.ge [sflag:s4], $0x0  }
0x19: {  	s7 =	sld [smem:$0x3F98]  }
0x1a: {  	s8 =	sadd.s32 $0xFFFFE003, lr  }
0x1b: {  	s9 =	sadd.s32 $0xFFFFFEF7, lr;
	s5 =	simm.s32 $0xFFFFFFFF;
	p2 =	slt.u32 s8, $0xFFFFF086  }
0x1c: {  	p1 =	slt.u32 s9, $0xF7A;
	s5 =	simm.s32 @!p2 $0x0  }
0x1d: {  	s5 =	simm.s32 @p1 $0x1;
	p0 =	seq.s32 s7, s2  }
0x1e: {  	s7 =	smul.u32 @!p0 $0xF7A, s2;
	p2 =	seq.s32 @!p0 s5, $0x0  }
0x1f: {  	s9 =	smul.u32 $0xF7A, s1;
	s8 =	simm.s32 @!p0 $0x1BF5;
	p2 =	por !p2, p0  }
0x20: {  	[sflag:s8] =	ssyncset.s32 @!p0 $0xFFFFF086;
	s6 =	sadd.s32 @!p0 s3, s7;
	s7 =	simm.s32 @!p0 $0x108  }
0x21: {  	s3 =	sadd.s32 s3, s9;
	s6 =	sadd.s32 @!p0 $0x88, s6;
	s7 =	simm.s32 @p2 $0x1082  }
0x22: {  	[simem:s7], [sflag:s8] =	dma.local @!p0 [hbm:s6], $0xF7A  }
0x23: {  	s9 =	sor.u32 $0xD0000000, s2;
	s6 =	simm.s32 $0x108;
	_ =	swait.ge @!p0 [sflag:s8], $0x0  }
0x24: {  	s3 =	sadd.s32 $0x88, s3;
	s6 =	simm.s32 @!p1 $0x1082;
	[sflag:s4] =	ssyncset.s32 $0xFFFFF086  }
0x25: {  	[simem:s6], [sflag:s4] =	dma.local [hbm:s3], $0xF7A  }
0x26: {  	[smem:$0x3F98] =	sst s1;
	(tag) =	ssettag s2;
	_ =	strace s9  }
0x27: {  	s1 =	sld [smem:$0x3FA8]  }
0x28: {  	s2 =	sld [smem:$0x3FA9]  }
0x29: {  	s4 =	sld [smem:$0x3FAB]  }
0x2a: {  	p0 =	seq.s32 s5, $0x0;
	s5 =	sld [smem:$0x3FAC]  }
0x2b: {  	s6 =	sld [smem:$0x3FAD]  }
0x2c: {  	s7 =	sld [smem:$0x3FAE]  }
0x2d: {  	s3 =	simm.s32 $0x108;
	s8 =	sld [smem:$0x3FAF]  }
0x2e: {  	s3 =	simm.s32 @!p0 $0x1082;
	s9 =	sld [smem:$0x3FB0]  }
0x2f: {  	lr =	sadd.s32 s0, s3;
	s0 =	sld [smem:$0x3FA7]  }
0x30: {  	s3 =	sld [smem:$0x3FAA]  }
0x31: {  	[smem:$0x3FB3] =	sst s10  }
0x32: {  	s10 =	sld [smem:$0x3FB1];
	_ =	sdelay $0x3  }
0x33: {  	p0 =	seq.s32 s10, $0x1;
	s10 =	sld [smem:$0x3FB3];
	_ =	sdelay $0x3  }
0x34: {  	[smem:$0x3FB3] =	sst s10  }
0x35: {  	s10 =	sld [smem:$0x3FB2];
	_ =	sdelay $0x3  }
0x36: {  	p1 =	seq.s32 s10, $0x1;
	s10 =	sld [smem:$0x3FB3];
	_ =	sdelay $0x3  }
0x37: {  	[smem:$0x3FB3] =	sst s10  }
0x38: {  	s10 =	sld [smem:$0x3FB4]  }
0x39: {  	_ = 	snop;
	(pc) =	sbr.ind lr, $3  }
0x3a: {  	_ = 	snop  }
0x3b: {  	_ = 	snop  }
0x3c: {  	p2 =	seq.s32 s10, $0x1;
	s10 =	sld [smem:$0x3FB3]  }
0x3d: {  	_ =	shalt  }
0x3e: {  	_ =	shalt  }
0x3f: {  	_ =	shalt  }
0x40: {  	_ =	shalt  }
0x41: {  	_ =	shalt  }
0x42: {  	_ =	shalt  }
0x43: {  	_ =	shalt  }
0x44: {  	_ =	shalt  }
0x45: {  	_ =	shalt  }
0x46: {  	_ =	shalt  }
0x47: {  	_ =	shalt  }
0x48: {  	_ =	shalt  }
0x49: {  	_ =	shalt  }
0x4a: {  	_ =	shalt  }
0x4b: {  	_ =	shalt  }
0x4c: {  	_ =	shalt  }
0x4d: {  	_ =	shalt  }
0x4e: {  	_ =	shalt  }
0x4f: {  	_ =	shalt  }
0x50: {  	_ =	shalt  }
0x51: {  	_ =	shalt  }
0x52: {  	_ =	shalt  }
0x53: {  	_ =	shalt  }
0x54: {  	_ =	shalt  }
0x55: {  	_ =	shalt  }
0x56: {  	_ =	shalt  }
0x57: {  	_ =	shalt  }
0x58: {  	_ =	shalt  }
0x59: {  	_ =	shalt  }
0x5a: {  	_ =	shalt  }
0x5b: {  	_ =	shalt  }
0x5c: {  	_ =	shalt  }
0x5d: {  	_ =	shalt  }
0x5e: {  	_ =	shalt  }
0x5f: {  	_ =	shalt  }
0x60: {  	_ =	shalt  }
0x61: {  	_ =	shalt  }
0x62: {  	_ =	shalt  }
0x63: {  	_ =	shalt  }
0x64: {  	_ =	shalt  }
0x65: {  	_ =	shalt  }
0x66: {  	_ =	shalt  }
0x67: {  	_ =	shalt  }
0x68: {  	_ =	shalt  }
0x69: {  	_ =	shalt  }
0x6a: {  	_ =	shalt  }
0x6b: {  	_ =	shalt  }
0x6c: {  	_ =	shalt  }
0x6d: {  	_ =	shalt  }
0x6e: {  	_ =	shalt  }
0x6f: {  	_ =	shalt  }
0x70: {  	_ =	shalt  }
0x71: {  	_ =	shalt  }
0x72: {  	_ =	shalt  }
0x73: {  	_ =	shalt  }
0x74: {  	_ =	shalt  }
0x75: {  	_ =	shalt  }
0x76: {  	_ =	shalt  }
0x77: {  	_ =	shalt  }
0x78: {  	_ =	shalt  }
0x79: {  	_ =	shalt  }
0x7a: {  	_ =	shalt  }
0x7b: {  	_ =	shalt  }
0x7c: {  	_ =	shalt  }
0x7d: {  	_ =	shalt  }
0x7e: {  	_ =	shalt  }
0x7f: {  	_ =	shalt  }
0x80: {  	_ =	shalt  }
0x81: {  	_ =	shalt  }
0x82: {  	_ =	shalt  }
0x83: {  	_ =	shalt  }
0x84: {  	_ =	shalt  }
0x85: {  	_ =	shalt  }
0x86: {  	_ =	shalt  }
0x87: {  	_ =	shalt  }
.Lfunc_end0:
.L_simem_size_0:
called_computation_lowered:
.L_overlay_start_0:
0x88: {  	s2 =	sld [smem:$0x3FD9]  }
0x89: {  	s3 =	sld [smem:$0x3FFE];
	_ =	sdelay $0x1  }
0x8a: {  	s1 =	srdreg.scid  }
0x8b: {  	s0 =	sand.u32 $0x1, s1  }
0x8c: {  	s14 =	sshll.u32 s0, $0xA;
	s2 =	sadd.s32 s3, s2  }
0x8d: {  	s2 =	sadd.s32 s2, s14  }
0x8e: {  	[smem:$0x3FBF] =	sst s2  }
0x8f: {  	_ = 	snop  }
0x90: {  	s2 =	sld [smem:$0x3FD0];
	_ =	sdelay $0x2  }
0x91: {  	s15 =	simm.s32 $0xA;
	s4 =	simm.s32 $0x10  }
0x92: {  	[smem:s4], [sflag:s15] =	dma.local [hbm:s2], $0x1  }
0x93: {  	_ =	swait.eq [sflag:s15], $0x1  }
0x94: {  	s16 =	sld [smem:$0x10]  }
0x95: {  	s17 =	sld [smem:$0x11];
	[sflag:s15] =	ssyncset.done $0x0  }
0x96: {  	s5 =	sld [smem:$0x12];
	[sflag:s15] =	ssyncadd.s32 $0xFFFFFFFF  }
0x97: {  	s18 =	sld [smem:$0x13];
	(tm) =	ssettm $0x1  }
0x98: {  	s6 =	sld [smem:$0x3FFB];
	_ =	sdelay $0x3  }
0x99: {  	_ =	strace s6  }
0x9a: {  	s6 =	sld [smem:$0x3FFC];
	_ =	sdelay $0x3  }
0x9b: {  	_ =	strace s6  }
0x9c: {  	s6 =	sld [smem:$0x3FFD];
	_ =	sdelay $0x3  }
0x9d: {  	_ =	strace s6  }
0x9e: {  	_ =	strace $0x8FFFFFFF  }
0x9f: {  	s19 =	sld [smem:$0x3FDB];
	_ =	sdelay $0x1  }
0xa0: {  	s7 =	simm.s32 $_scs_section_size  }
0xa1: {  	s8 =	simm.s32 $_size__tile_overlayer_lowered;
	s9 =	simm.s32 $_tile_overlayer_lowered  }
0xa2: {  	s22 =	simm.s32 $0x1BFF;
	s21 =	sshll.u32 s9, $0x1;
	s6 =	sadd.s32 s7, s19  }
0xa3: {  	s10 =	simm.s32 $0x0;
	s20 =	sshll.u32 s8, $0x1;
	s8 =	sadd.s32 s21, s6  }
0xa4: {  	[timem:s10], [sflag:s22] =	dma.local [hbm:s8], s20  }
0xa5: {  	_ =	swait.ge [sflag:s22], s20  }
0xa6: {  	s7 =	ssub.s32 $0x0, s20;
	[sflag:s22] =	ssyncset.done $0x0  }
0xa7: {  	[sflag:s22] =	ssyncadd.s32 s7;
	_ =	sdelay $0x1  }
0xa8: {  	s23 =	simm.s32 $0x1B8B  }
0xa9: {  	_ =	swait.ge [sflag:s23], $0x1  }
0xaa: {  	[sflag:s23] =	ssyncset.done $0x0  }
0xab: {  	s25 =	simm.s32 $0x1B8E;
	s24 =	sld [smem:$0x3FFE];
	[sflag:s23] =	ssyncadd.s32 $0xFFFFFFFF  }
0xac: {  	s26 =	simm.s32 $execute0_lowered;
	[smem:$0x3FD2] =	sst s25  }
0xad: {  	s8 =	sshll.u32 s26, $0x1;
	_ =	strace $0x80000046;
	[dreg:$0x1] =	wrdreg $0xFFFFFFFF  }
0xae: {  	s28 =	simm.s32 $_size_execute0_lowered;
	s6 =	sadd.s32 s6, s8;
	[dreg:$0x0] =	wrdreg $0x0  }
0xaf: {  	s8 =	sshll.u32 s28, $0x1;
	[dreg:$0x2] =	wrdreg s6  }
0xb0: {  	[dreg:$0x3] =	wrdreg s8  }
0xb1: {  	[dreg:$0x4] =	wrdreg $0xC0  }
0xb2: {  	_ =	task [dreg:s10], $0x5FFFF  }
0xb3: {  	[dreg:$0x1] =	wrdreg $0xFFFFFFFF  }
0xb4: {  	[dreg:$0x0] =	wrdreg $0x60  }
0xb5: {  	[dreg:$0x2] =	wrdreg s24  }
0xb6: {  	[dreg:$0x3] =	wrdreg s16  }
0xb7: {  	[dreg:$0x4] =	wrdreg s5  }
0xb8: {  	[dreg:$0x5] =	wrdreg s17  }
0xb9: {  	[dreg:$0x6] =	wrdreg s18  }
0xba: {  	[dreg:$0x7] =	wrdreg $0x9  }
0xbb: {  	_ =	task.clear_ibuf [dreg:s10], $0x8FFFF;
	_ =	strace $0x90000046  }
0xbc: {  	s29 =	simm.s32 $0x9;
	_ =	strace $0x80000048  }
0xbd: {  	_ =	swait.ge [sflag:s29], $0x1  }
0xbe: {  	[sflag:s29] =	ssyncadd.s32 $0xFFFFFFFF  }
0xbf: {  	_ =	strace $0x90000048  }
0xc0: {  	_ =	sfence  }
0xc1: {  	s30 =	sld [smem:$0x0];
	_ =	sdelay $0x2  }
0xc2: {  	s31 =	sshll.u32 s1, $0xD;
	s1 =	sshrl.u32 s1, $0x2  }
0xc3: {  	s3 =	sand.u32 $0x4000, s31;
	s1 =	sadd.s32 s1, s30  }
0xc4: {  	s0 =	sor.u32 s3, s0;
	s1 =	sshll.u32 s1, $0x11  }
0xc5: {  	s0 =	sor.u32 s1, s0  }
0xc6: {  	s0 =	sadd.s32 $0x8F2B, s0  }
0xc7: {  	[sflag:s0] =	ssyncadd.remote.s32 $0x1  }
0xc8: {  	_ =	sfence.sel $0xFFFF  }
0xc9: {  	[dreg:$0x0] =	wrdreg $0xFFFFFFFF;
	(pc) =	sbr.abs _section_cstart, $3  }
0xca: {  	[dreg:$0x1] =	wrdreg $0xFFFFFFFF  }
0xcb: {  	_ =	task.clear_ibuf [dreg:s10], $0x2FFFF;
	_ =	strace $0x9FFFFFFF  }
0xcc: {  	(tm) =	ssettm $0x7FFFFFFF  }
0xcd: {  	_ =	shalt  }
tec
execute0_lowered:
.L_overlay_start_1:
0x0: {  	(tag) =	ssettag $0x1  }
0x1: {  	s0 =	rddreg [dreg:$0x0]  }
0x2: {  	s1 =	rddreg [dreg:$0x1]  }
0x3: {  	s2 =	rddreg [dreg:$0x2]  }
0x4: {  	s3 =	rddreg [dreg:$0x3]  }
0x5: {  	s4 =	rddreg [dreg:$0x4];
	s5 =	simm.s32 $0x0;
	s9 =	srdreg.scid  }
0x6: {  	s16 =	stileid.u32;
	s17 =	simm.s32 $0x80;
	s18 =	simm.s32 $0x100  }
0x7: {  	s19 =	simm.s32 $0x300;
	s20 =	simm.s32 $0x4300;
	s21 =	simm.s32 $0x8300  }
0x8: {  	s22 =	simm.s32 $0xC300;
	s23 =	simm.s32 $0xC380;
	s24 =	simm.s32 $0x0  }
0x9: {  	[smem:$0x7FF] =	sst s5;
	s6 =	sadd.s32 $0x201A00, s0;
	s7 =	sadd.s32 $0x1A00, s0  }
0xa: {  	s8 =	sadd.s32 $0x21A00, s0;
	s9 =	sand.u32 $0x1, s9;
	s10 =	sadd.s32 $0x41A00, s0  }
0xb: {  	s11 =	sadd.s32 $0x43A00, s0;
	s12 =	sadd.s32 $0x47A00, s0;
	s13 =	ssub.s32 $0x2, s9  }
0xc: {  	s31 =	sshll.u32 s16, $0x8;
	s16 =	simm.s32 $0x1;
	s14 =	sshrl.u32 s13, $0x1  }
0xd: {  	v0 =	vlaneseq.u32;
	_ =	strace $0x80000047;
	s9 =	sshll.u32 s9, $0xC;
	s15 =	ssub.s32 s13, s14  }
0xe: {  	v0 =	vmul.u32 $0x80, v0;
	s13 =	sadd.s32 $0x45A00, s0;
	s14 =	sor.u32 s31, s9;
	s15 =	smax.u32 s15, $0x1  }
.LBB2_1:
0xf: {  	s25 =	simm.s32 $0x0  }
.LBB2_2:
0x10: {  	s0 =	sshll.u32 s25, $0x4  }
0x11: {  	s26 =	sadd.s32 s14, s0  }
0x12: {  	s9 =	simm.s32 $0x0;
	s0 =	sadd.s32 s1, s26  }
0x13: {  	[tilespmem:s9], [sflag:$0x1] =	stream.linear.gather [hbm4b:s0+s9], $0x80, $0x38;
	[tilespmem:$0xC400] =	vst v63  }
0x14: {  	_ =	swait.ge [sflag:s16], $0x80  }
0x15: {  	[sflag:s16] =	ssyncset.done $0x0  }
0x16: {  	s0 =	sadd.s32 s10, s26;
	[sflag:s16] =	ssyncadd.s32 $0xFFFFFF80  }
0x17: {  	[tilespmem:s17], [sflag:$0x1] =	stream.linear.gather [hbm4b:s0+s9], $0x80, $0x38;
	[tilespmem:$0xC400] =	vst v63  }
0x18: {  	_ =	swait.ge [sflag:s16], $0x80  }
0x19: {  	[sflag:s16] =	ssyncset.done $0x0  }
0x1a: {  	s0 =	sadd.s32 s2, s26;
	[sflag:s16] =	ssyncadd.s32 $0xFFFFFF80  }
0x1b: {  	[tilespmem:s18], [sflag:$0x1] =	stream.linear.gather [hbm4b:s0+s9], $0x80, $0x38;
	[tilespmem:$0xC400] =	vst v63  }
0x1c: {  	_ =	swait.ge [sflag:s16], $0x80  }
0x1d: {  	[sflag:s16] =	ssyncset.done $0x0  }
0x1e: {  	s28 =	simm.s32 $0x180;
	s0 =	sadd.s32 s3, s26;
	[sflag:s16] =	ssyncadd.s32 $0xFFFFFF80  }
0x1f: {  	[tilespmem:s28], [sflag:$0x1] =	stream.linear.gather [hbm4b:s0+s9], $0x80, $0x38;
	[tilespmem:$0xC400] =	vst v63  }
0x20: {  	_ =	swait.ge [sflag:s16], $0x80  }
0x21: {  	[sflag:s16] =	ssyncset.done $0x0  }
0x22: {  	s29 =	simm.s32 $0x200;
	s0 =	sadd.s32 s11, s26;
	[sflag:s16] =	ssyncadd.s32 $0xFFFFFF80  }
0x23: {  	[tilespmem:s29], [sflag:$0x1] =	stream.linear.gather [hbm4b:s0+s9], $0x80, $0x38;
	[tilespmem:$0xC400] =	vst v63  }
0x24: {  	_ =	swait.ge [sflag:s16], $0x80  }
0x25: {  	[sflag:s16] =	ssyncset.done $0x0  }
0x26: {  	s30 =	simm.s32 $0x280;
	s0 =	sadd.s32 s4, s26;
	[sflag:s16] =	ssyncadd.s32 $0xFFFFFF80  }
0x27: {  	[tilespmem:s30], [sflag:$0x1] =	stream.linear.gather [hbm4b:s0+s9], $0x80, $0x38;
	[tilespmem:$0xC400] =	vst v63  }
0x28: {  	_ =	swait.ge [sflag:s16], $0x80  }
0x29: {  	[sflag:s16] =	ssyncset.done $0x0  }
0x2a: {  	[sflag:s16] =	ssyncadd.s32 $0xFFFFFF80  }
0x2b: {  	[tilespmem:s19], [sflag:$0x1] =	stream.indirect.gather [hbm4b:s6+s17], $0x80, s9, s17, $0xb8;
	[tilespmem:$0xC400] =	vst v63  }
0x2c: {  	_ =	swait.ge [sflag:s16], $0x4000  }
0x2d: {  	[sflag:s16] =	ssyncset.done $0x0  }
0x2e: {  	[sflag:s16] =	ssyncadd.s32 $0xFFFFC000  }
0x2f: {  	[tilespmem:s20], [sflag:$0x1] =	stream.indirect.gather [hbm4b:s7+s17], $0x80, s17, s17, $0xb8;
	[tilespmem:$0xC400] =	vst v63  }
0x30: {  	_ =	swait.ge [sflag:s16], $0x4000  }
0x31: {  	[sflag:s16] =	ssyncset.done $0x0  }
0x32: {  	[sflag:s16] =	ssyncadd.s32 $0xFFFFC000  }
0x33: {  	[tilespmem:s21], [sflag:$0x1] =	stream.indirect.gather [hbm4b:s8+s17], $0x80, s18, s17, $0xb8;
	[tilespmem:$0xC400] =	vst v63  }
0x34: {  	_ =	swait.ge [sflag:s16], $0x4000  }
0x35: {  	[sflag:s16] =	ssyncset.done $0x0  }
0x36: {  	[sflag:s16] =	ssyncadd.s32 $0xFFFFC000  }
0x37: {  	v1 =	vld [tilespmem:s29+$0x0]  }
0x38: {  	v2 =	vld [tilespmem:s28+$0x0]  }
0x39: {  	v4 =	vld [tilespmem:s30+$0x0]  }
0x3a: {  	v3 =	vmov s9  }
0x3b: {  	v3 =	vshll.u32 v3, $0x7  }
0x3c: {  	v3 =	vor.u32 v0, v3;
	v5 =	vand.u32 $0xFFFFFF80, v1;
	v1 =	vand.u32 $0x7F, v1  }
0x3d: {  	v6 =	vand.u32 $0xFFFFFF80, v2;
	v2 =	vand.u32 $0x7F, v2;
	v5 =	vadd.s32 v3, v5  }
0x3e: {  	v1 =	vor.u32 v1, v5;
	v5 =	vadd.s32 v3, v6;
	v6 =	vand.u32 $0xFFFFFF80, v4  }
0x3f: {  	v4 =	vand.u32 $0x7F, v4;
	v2 =	vor.u32 v2, v5;
	v3 =	vadd.s32 v3, v6  }
0x40: {  	v3 =	vor.u32 v4, v3;
	_ =	sdelay $0x2  }
0x41: {  	v1 =	vld.idx.msk [tilespmem:v1+s20+$0x0], $0xffff  }
0x42: {  	v2 =	vld.idx.msk [tilespmem:v2+s19+$0x0], $0xffff  }
0x43: {  	v3 =	vld.idx.msk [tilespmem:v3+s21+$0x0], $0xffff;
	_ =	sdelay $0x3  }
0x44: {  	v1 =	vadd.f32 v1, v2  }
0x45: {  	v2 =	vadd.f32 v3, v2  }
0x46: {  	v1 =	vmul.f32 $8.838834610e-02, v1  }
0x47: {  	v2 =	vmul.f32 $8.838834610e-02, v2  }
0x48: {  	v1 =	vmul.f32 $1.442695020e+00, v1  }
0x49: {  	v2 =	vmul.f32 $1.442695020e+00, v2  }
0x4a: {  	(erf) = vpow2.f32 v1  }
0x4b: {  	(erf) = vpow2.f32 v2;
	_ =	sdelay $0x7  }
0x4c: {  	s29 =	simm.s32 $0xC300;
	v1 =	vpop (erf)  }
0x4d: {  	s28 =	simm.s32 $0xC380;
	[tilespmem:s29+$0x0] =	vst v1;
	v1 =	vpop (erf)  }
0x4e: {  	s30 =	simm.s32 $0x210;
	[tilespmem:s28+$0x0] =	vst v1  }
0x4f: {  	v3 =	vld [tilespmem:s30+$0x0]  }
0x50: {  	s31 =	simm.s32 $0x190  }
0x51: {  	s0 =	simm.s32 $0x290;
	s9 =	simm.s32 $0x10;
	v2 =	vld [tilespmem:s31+$0x0]  }
0x52: {  	v4 =	vmov s9;
	s9 =	simm.s32 $0x20;
	v1 =	vld [tilespmem:s0+$0x0]  }
.LBB2_3:
0x53: {  	p0 =	sne.s32 s9, $0x70;
	v4 =	vshll.u32 v4, $0x7  }
0x54: {  	v4 =	vor.u32 v0, v4;
	v5 =	vand.u32 $0xFFFFFF80, v3  }
0x55: {  	v3 =	vand.u32 $0x7F, v3;
	v5 =	vadd.s32 v4, v5  }
0x56: {  	v6 =	vand.u32 $0xFFFFFF80, v2;
	v3 =	vor.u32 v3, v5  }
0x57: {  	v2 =	vand.u32 $0x7F, v2;
	v5 =	vadd.s32 v4, v6;
	v6 =	vand.u32 $0xFFFFFF80, v1  }
0x58: {  	v1 =	vand.u32 $0x7F, v1;
	v2 =	vor.u32 v2, v5;
	v4 =	vadd.s32 v4, v6  }
0x59: {  	v1 =	vor.u32 v1, v4;
	_ =	sdelay $0x2  }
0x5a: {  	v3 =	vld.idx.msk [tilespmem:v3+s20+$0x0], $0xffff  }
0x5b: {  	v2 =	vld.idx.msk [tilespmem:v2+s19+$0x0], $0xffff  }
0x5c: {  	v1 =	vld.idx.msk [tilespmem:v1+s21+$0x0], $0xffff;
	_ =	sdelay $0x4  }
0x5d: {  	v3 =	vadd.f32 v3, v2  }
0x5e: {  	v1 =	vadd.f32 v1, v2  }
0x5f: {  	v2 =	vmul.f32 $8.838834610e-02, v3  }
0x60: {  	v1 =	vmul.f32 $8.838834610e-02, v1  }
0x61: {  	v2 =	vmul.f32 $1.442695020e+00, v2  }
0x62: {  	v1 =	vmul.f32 $1.442695020e+00, v1  }
0x63: {  	(erf) = vpow2.f32 v2  }
0x64: {  	(erf) = vpow2.f32 v1;
	_ =	sdelay $0x7  }
0x65: {  	s29 =	sadd.s32 $0x10, s29;
	v1 =	vpop (erf)  }
0x66: {  	s28 =	sadd.s32 $0x10, s28;
	[tilespmem:s29+$0x0] =	vst v1;
	v1 =	vpop (erf)  }
.Ltmp0:
0x67: {  	s30 =	sadd.s32 $0x10, s30;
	[tilespmem:s28+$0x0] =	vst v1;
	(pc) =	sbr.rel @p0 .LBB2_3-.Ltmp0, $4  }
0x68: {  	v3 =	vld [tilespmem:s30+$0x0]  }
0x69: {  	s31 =	sadd.s32 $0x10, s31  }
0x6a: {  	s0 =	sadd.s32 $0x10, s0;
	v2 =	vld [tilespmem:s31+$0x0]  }
0x6b: {  	v4 =	vmov s9;
	s9 =	sadd.s32 $0x10, s9;
	v1 =	vld [tilespmem:s0+$0x0]  }
0x6c: {  	v4 =	vshll.u32 v4, $0x7  }
0x6d: {  	v4 =	vor.u32 v0, v4;
	v5 =	vand.u32 $0xFFFFFF80, v3  }
0x6e: {  	v3 =	vand.u32 $0x7F, v3;
	v5 =	vadd.s32 v4, v5  }
0x6f: {  	v6 =	vand.u32 $0xFFFFFF80, v2;
	v3 =	vor.u32 v3, v5  }
0x70: {  	v2 =	vand.u32 $0x7F, v2;
	v62 =	vadd.s32 v4, v6;
	v63 =	vand.u32 $0xFFFFFF80, v1  }
0x71: {  	v1 =	vand.u32 $0x7F, v1;
	v2 =	vor.u32 v2, v62;
	v4 =	vadd.s32 v4, v63  }
0x72: {  	v1 =	vor.u32 v1, v4;
	_ =	sdelay $0x2  }
0x73: {  	v3 =	vld.idx.msk [tilespmem:v3+s20+$0x0], $0xffff  }
0x74: {  	v2 =	vld.idx.msk [tilespmem:v2+s19+$0x0], $0xffff  }
0x75: {  	v1 =	vld.idx.msk [tilespmem:v1+s21+$0x0], $0xffff;
	_ =	sdelay $0x3  }
0x76: {  	v3 =	vadd.f32 v3, v2  }
0x77: {  	v1 =	vadd.f32 v1, v2  }
0x78: {  	v2 =	vmul.f32 $8.838834610e-02, v3  }
0x79: {  	v1 =	vmul.f32 $8.838834610e-02, v1  }
0x7a: {  	v2 =	vmul.f32 $1.442695020e+00, v2  }
0x7b: {  	v1 =	vmul.f32 $1.442695020e+00, v1  }
0x7c: {  	(erf) = vpow2.f32 v2  }
0x7d: {  	(erf) = vpow2.f32 v1;
	_ =	sdelay $0x7  }
0x7e: {  	s0 =	sadd.s32 $0x10, s29;
	v1 =	vpop (erf)  }
0x7f: {  	s29 =	sadd.s32 $0x10, s28;
	[tilespmem:s0+$0x0] =	vst v1;
	v1 =	vpop (erf)  }
0x80: {  	s30 =	sadd.s32 s12, s26;
	[tilespmem:s29+$0x0] =	vst v1  }
0x81: {  	[hbm4b:s30+s5] =	stream.linear.scatter [tilespmem:s22], [sflag:$0x1], $0x80, $0x38;
	[tilespmem:$0xC400] =	vst v63  }
0x82: {  	s25 =	sadd.s32 $0x1, s25;
	_ =	swait.ge [sflag:s16], $0x80  }
0x83: {  	p0 =	sne.s32 s25, $0x10;
	[sflag:s16] =	ssyncset.done $0x0  }
.Ltmp1:
0x84: {  	s31 =	sadd.s32 s13, s26;
	[sflag:s16] =	ssyncadd.s32 $0xFFFFFF80;
	(pc) =	sbr.rel @p0 .LBB2_2-.Ltmp1, $4  }
0x85: {  	[hbm4b:s31+s5] =	stream.linear.scatter [tilespmem:s23], [sflag:$0x1], $0x80, $0x38;
	[tilespmem:$0xC400] =	vst v63  }
0x86: {  	_ =	swait.ge [sflag:s16], $0x80  }
0x87: {  	[sflag:s16] =	ssyncset.done $0x0  }
0x88: {  	[sflag:s16] =	ssyncadd.s32 $0xFFFFFF80  }
0x89: {  	s24 =	sadd.s32 $0x1, s24  }
0x8a: {  	p0 =	sne.s32 s24, s15  }
.Ltmp2:
0x8b: {  	_ = 	snop;
	(pc) =	sbr.rel @p0 .LBB2_1-.Ltmp2, $1  }
0x8c: {  	_ =	sdelay $0x3  }
0x8d: {  	_ =	sfence.sel $0x180000  }
0x8e: {  	[bflag:$0x0] =	sbarrier.arrive $0xFFFF  }
0x8f: {  	_ =	strace $0x90000047  }
0x90: {  	s0 =	stileid.u32;
	[bflag:$0x2] =	sbarrier.arrive $0xFFFF  }
0x91: {  	p0 =	sne.s32 s0, $0x0;
	s0 =	rddreg [dreg:$0x5]  }
0x92: {  	s0 =	sadd.s32 @!p0 $0x100000, s0  }
0x93: {  	[sflag:s0] =	ssyncadd.tile.s32 @!p0 $0x1;
	_ =	shalt  }
.Lfunc_end2:
_tile_overlayer_lowered:
.L_overlay_start_2:
0x94: {  	(tag) =	ssettag $0x2  }
0x95: {  	s0 =	rddreg [dreg:$0x0];
	s2 =	stileid.u32  }
0x96: {  	s1 =	rddreg [dreg:$0x1];
	p0 =	sne.s32 s2, $0x0  }
0x97: {  	s3 =	rddreg [dreg:$0x2];
	[bflag:$0x3] =	sbarrier.arrive $0xFFFF;
	s2 =	simm.s32 @!p0 $0x1C01  }
0x98: {  	[timem:s3], [sflag:s2] =	dma.local @!p0 [hbm:s0], s1  }
0x99: {  	s0 =	simm.s32 @!p0 $0x1  }
0x9a: {  	_ =	swait.ge @!p0 [sflag:s0], s1  }
0x9b: {  	s1 =	ssub.s32 @!p0 $0x0, s1;
	[sflag:s0] =	ssyncset.done @!p0 $0x0  }
0x9c: {  	[sflag:s0] =	ssyncadd.s32 @!p0 s1  }
0x9d: {  	[bflag:$0x3] =	sbarrier.arrive $0xFFFF  }
0x9e: {  	_ =	shalt  }

</sc_bundles>
